<compile_context>
chip_gen: v7x
topology: tpu7x:2x2x1
jax: 0.10.2.dev20260603
libtpu: 0.0.44.dev20260713+nightly
codegen_flags: <defaults>
</compile_context>

<pallas_src>
import jax
import jax.numpy as jnp
from jax import lax
from jax.experimental import pallas as pl
from jax.experimental.pallas import tpu as pltpu
from jax.experimental.pallas import tpu_sc as plsc

_ROWS = 4096
_COLS = 16384
_NSEL = 64

_NC = 2
_NS = 16
_LANES = 16
_NW = _NC * _NS
_RPW = _NSEL // _NW


def _copy_body(d_ref, o_ref):
    o_ref[...] = d_ref[...]


def _copy(data):
    block_rows = 128
    return pl.pallas_call(
        _copy_body,
        grid=(_ROWS // block_rows,),
        in_specs=[pl.BlockSpec((block_rows, _COLS), lambda i: (i, 0))],
        out_specs=pl.BlockSpec((block_rows, _COLS), lambda i: (i, 0)),
        out_shape=jax.ShapeDtypeStruct((_ROWS, _COLS), jnp.float32),
    )(data)


def _gather_body(sel_hbm, data_hbm, out_hbm, sel_v, rows_v, sem):
    wid = lax.axis_index("s") * _NC + lax.axis_index("c")
    pltpu.sync_copy(sel_hbm, sel_v)
    idx = sel_v.at[wid]
    pltpu.async_copy(data_hbm.at[idx], rows_v, sem).wait()

    def _neg(i, carry):
        for r in range(_RPW):
            rows_v[r, pl.ds(i * _LANES, _LANES)] = -rows_v[r, pl.ds(i * _LANES, _LANES)]
        return carry

    lax.fori_loop(0, _COLS // _LANES, _neg, 0)
    pltpu.sync_copy(rows_v, out_hbm.at[pl.ds(wid * _RPW, _RPW)])


def _gather_neg_rows(sel, data):
    mesh = plsc.VectorSubcoreMesh(core_axis_name="c", subcore_axis_name="s")
    return pl.kernel(
        _gather_body,
        out_type=jax.ShapeDtypeStruct((_NSEL, _COLS), jnp.float32),
        mesh=mesh,
        scratch_types=[
            pltpu.VMEM((_NW, _RPW), jnp.int32),
            pltpu.VMEM((_RPW, _COLS), jnp.float32),
            pltpu.SemaphoreType.DMA,
        ],
        compiler_params=pltpu.CompilerParams(needs_layout_passes=False),
    )(sel.reshape(_NW, _RPW), data)


def _scatter_body(sel_ref, alias_ref, neg_ref, o_ref, sem):
    del alias_ref
    copies = [
        pltpu.make_async_copy(neg_ref.at[j], o_ref.at[sel_ref[j]], sem)
        for j in range(_NSEL)
    ]
    for c in copies:
        c.start()
    for c in copies:
        c.wait()


def _scatter(sel, out1, negrows):
    return pl.pallas_call(
        _scatter_body,
        in_specs=[
            pl.BlockSpec(memory_space=pltpu.MemorySpace.SMEM),
            pl.BlockSpec(memory_space=pltpu.MemorySpace.HBM),
            pl.BlockSpec(memory_space=pltpu.MemorySpace.VMEM),
        ],
        out_specs=pl.BlockSpec(memory_space=pltpu.MemorySpace.HBM),
        out_shape=jax.ShapeDtypeStruct((_ROWS, _COLS), jnp.float32),
        scratch_shapes=[pltpu.SemaphoreType.DMA],
        input_output_aliases={1: 0},
    )(sel, out1, negrows)


def kernel(data, selection):
    sel = selection.astype(jnp.int32)
    negrows = _gather_neg_rows(sel, data)
    out1 = _copy(data)
    return _scatter(sel, out1, negrows)

# --- scband reference (transcript-rebuilt; emitter-appended) ---
"""Pipeline reference for scband-random-amplitude-flip-1657857377038 (READ-ONLY COPY).

The authoritative reference and input builder live on the scoring server;
editing this copy changes nothing except your own understanding.
"""

import jax, jax.numpy as jnp
import numpy as np

N_TS = 4096
L = 16384
F = 64

def setup_inputs(seed: int = 0) -> dict:
    key = jax.random.key(seed)
    k1, k2 = jax.random.split(key)
    data = jax.random.normal(k1, (N_TS, L), dtype=jnp.float32)
    selection = jax.random.randint(k2, (F,), 0, N_TS, dtype=jnp.int64)
    return {"data": data, "selection": selection}

def reference(data, selection):
    # Faithful translation of RandomAmplitudeFlip with p=1.0 (branch always taken,
    # made deterministic) and the random channel selection materialized as an input.
    # data[selection, :] = -data[selection, :]
    # Implemented as a sign-vector scatter + broadcast multiply (scatter-overwrite
    # semantics, well-defined even with duplicate indices).
    sign = jnp.ones((data.shape[0],), dtype=data.dtype).at[selection].set(-1.0)
    return data * sign[:, None]

if __name__ == "__main__":
    import jax
    _d = setup_inputs()
    print(jax.jit(kernel)(*tuple(_d.values())))

</pallas_src>

<mosaic_0001>
#map = affine_map<(d0, d1) -> (0, 0)>
module attributes {stable_mosaic.version = 14 : i64} {
  func.func @_gather_body(%arg0: i32, %arg1: i32, %arg2: memref<32x2xi32, #tpu.memory_space<hbm>>, %arg3: memref<4096x16384xf32, #tpu.memory_space<hbm>>, %arg4: memref<64x16384xf32, #tpu.memory_space<hbm>>, %arg5: memref<32x2xi32, #tpu.memory_space<vmem>>, %arg6: memref<2x16384xf32, #tpu.memory_space<vmem>>, %arg7: memref<!tpu.dma_semaphore, #tpu.memory_space<semaphore_mem>>) attributes {dimension_semantics = [#tpu.dimension_semantics<core_parallel>, #tpu.dimension_semantics<subcore_parallel>], iteration_bounds = array<i64: 2, 16>, scalar_prefetch = 0 : i64, scratch_operands = 3 : i64, tpu.core_type = #tpu.core_type<sc_vector_subcore>, window_params = [{transform_indices = #map}, {transform_indices = #map}, {transform_indices = #map}]} {
    %mul3A = arith.constant 2 : i32
    %mul3A_0 = arith.muli %arg1, %mul3A : i32
    %add3A = arith.addi %mul3A_0, %arg0 : i32
    "tpu.region"() ({
      %run_scoped3A = tpu.sem_alloc : memref<!tpu.dma_semaphore, #tpu.memory_space<semaphore_mem>>
      tpu.enqueue_dma source(%arg2 : memref<32x2xi32, #tpu.memory_space<hbm>>) target(%arg5 : memref<32x2xi32, #tpu.memory_space<vmem>>) target_semaphore(%run_scoped3A : memref<!tpu.dma_semaphore, #tpu.memory_space<semaphore_mem>>)
      tpu.wait_dma2 semaphore(%run_scoped3A : memref<!tpu.dma_semaphore, #tpu.memory_space<semaphore_mem>>) src(%arg2 : memref<32x2xi32, #tpu.memory_space<hbm>>) dst(%arg5 : memref<32x2xi32, #tpu.memory_space<vmem>>)
      tpu.yield
    }) : () -> ()
    %dma_start3A = arith.constant 0 : i32
    %dma_start3A_1 = tpu.memref_slice %arg5[%add3A, %dma_start3A] : memref<32x2xi32, #tpu.memory_space<vmem>> -> memref<1x2xi32, #tpu.memory_space<vmem>>
    %dma_start3A_2 = tpu.memref_squeeze %dma_start3A_1 : memref<1x2xi32, #tpu.memory_space<vmem>> -> memref<2xi32, #tpu.memory_space<vmem>>
    %dma_start3A_3 = arith.constant 0 : i32
    %dma_start3A_4 = arith.constant 0 : i32
    %dma_start3A_5 = tpu.memref_slice %arg3[%dma_start3A_3, %dma_start3A_4] : memref<4096x16384xf32, #tpu.memory_space<hbm>> -> memref<4096x16384xf32, #tpu.memory_space<hbm>>
    tpu.enqueue_indirect_dma source(%dma_start3A_5 : memref<4096x16384xf32, #tpu.memory_space<hbm>>) target(%arg6 : memref<2x16384xf32, #tpu.memory_space<vmem>>) offsets(%dma_start3A_2 : memref<2xi32, #tpu.memory_space<vmem>>) semaphore(%arg7 : memref<!tpu.dma_semaphore, #tpu.memory_space<semaphore_mem>>)
    %dma_wait3A = arith.constant 0 : i32
    %dma_wait3A_6 = tpu.memref_slice %arg5[%add3A, %dma_wait3A] : memref<32x2xi32, #tpu.memory_space<vmem>> -> memref<1x2xi32, #tpu.memory_space<vmem>>
    %dma_wait3A_7 = tpu.memref_squeeze %dma_wait3A_6 : memref<1x2xi32, #tpu.memory_space<vmem>> -> memref<2xi32, #tpu.memory_space<vmem>>
    %dma_wait3A_8 = arith.constant 0 : i32
    %dma_wait3A_9 = arith.constant 0 : i32
    %dma_wait3A_10 = tpu.memref_slice %arg3[%dma_wait3A_8, %dma_wait3A_9] : memref<4096x16384xf32, #tpu.memory_space<hbm>> -> memref<4096x16384xf32, #tpu.memory_space<hbm>>
    tpu.wait_indirect_dma semaphore(%arg7 : memref<!tpu.dma_semaphore, #tpu.memory_space<semaphore_mem>>) src(%dma_wait3A_10 : memref<4096x16384xf32, #tpu.memory_space<hbm>>) dst(%arg6 : memref<2x16384xf32, #tpu.memory_space<vmem>>)
    %scan3A = arith.constant 0 : i32
    %scan3A_11 = arith.constant 0 : i32
    %scan3A_12 = arith.constant 1024 : i32
    %scan3A_13 = arith.addi %scan3A_11, %scan3A_12 : i32
    %scan3A_14 = arith.constant 1 : i32
    scf.for %scan3A_18 = %scan3A_11 to %scan3A_13 step %scan3A_14  : i32 {
      %mul3A_19 = arith.constant 16 : i32
      %mul3A_20 = arith.muli %scan3A_18, %mul3A_19 : i32
      %get3A = arith.constant 0 : i32
      %get3A_21 = arith.index_cast %get3A : i32 to index
      %get3A_22 = arith.index_cast %mul3A_20 : i32 to index
      %get3A_23 = tpu.vector_load %arg6[%get3A_21, %get3A_22] {strides = array<i32>} : memref<2x16384xf32, #tpu.memory_space<vmem>>, vector<16xf32>,
      %neg3A = arith.constant 0.000000e+00 : f32
      %neg3A_24 = vector.broadcast %neg3A : f32 to vector<16xf32>
      %neg3A_25 = arith.subf %neg3A_24, %get3A_23 : vector<16xf32>
      %mul3A_26 = arith.constant 16 : i32
      %mul3A_27 = arith.muli %scan3A_18, %mul3A_26 : i32
      %swap3A = arith.constant 0 : i32
      %swap3A_28 = arith.index_cast %swap3A : i32 to index
      %swap3A_29 = arith.index_cast %mul3A_27 : i32 to index
      %swap3A_30 = tpu.vector_load %arg6[%swap3A_28, %swap3A_29] {strides = array<i32>} : memref<2x16384xf32, #tpu.memory_space<vmem>>, vector<16xf32>,
      tpu.vector_store %arg6[%swap3A_28, %swap3A_29], %neg3A_25 {strides = array<i32>} : memref<2x16384xf32, #tpu.memory_space<vmem>>, vector<16xf32>,
      %mul3A_31 = arith.constant 16 : i32
      %mul3A_32 = arith.muli %scan3A_18, %mul3A_31 : i32
      %get3A_33 = arith.constant 1 : i32
      %get3A_34 = arith.index_cast %get3A_33 : i32 to index
      %get3A_35 = arith.index_cast %mul3A_32 : i32 to index
      %get3A_36 = tpu.vector_load %arg6[%get3A_34, %get3A_35] {strides = array<i32>} : memref<2x16384xf32, #tpu.memory_space<vmem>>, vector<16xf32>,
      %neg3A_37 = arith.constant 0.000000e+00 : f32
      %neg3A_38 = vector.broadcast %neg3A_37 : f32 to vector<16xf32>
      %neg3A_39 = arith.subf %neg3A_38, %get3A_36 : vector<16xf32>
      %mul3A_40 = arith.constant 16 : i32
      %mul3A_41 = arith.muli %scan3A_18, %mul3A_40 : i32
      %swap3A_42 = arith.constant 1 : i32
      %swap3A_43 = arith.index_cast %swap3A_42 : i32 to index
      %swap3A_44 = arith.index_cast %mul3A_41 : i32 to index
      %swap3A_45 = tpu.vector_load %arg6[%swap3A_43, %swap3A_44] {strides = array<i32>} : memref<2x16384xf32, #tpu.memory_space<vmem>>, vector<16xf32>,
      tpu.vector_store %arg6[%swap3A_43, %swap3A_44], %neg3A_39 {strides = array<i32>} : memref<2x16384xf32, #tpu.memory_space<vmem>>, vector<16xf32>,
    }
    %scan3A_15 = arith.constant 1024 : i32
    %mul3A_16 = arith.constant 2 : i32
    %mul3A_17 = arith.muli %add3A, %mul3A_16 : i32
    "tpu.region"() ({
      %run_scoped3A = tpu.sem_alloc : memref<!tpu.dma_semaphore, #tpu.memory_space<semaphore_mem>>
      %dma_start3A_18 = arith.constant 0 : i32
      %dma_start3A_19 = tpu.memref_slice %arg4[%mul3A_17, %dma_start3A_18] : memref<64x16384xf32, #tpu.memory_space<hbm>> -> memref<2x16384xf32, #tpu.memory_space<hbm>>
      %dma_start3A_20 = arith.constant 0 : i32
      %dma_start3A_21 = tpu.memref_slice %arg4[%mul3A_17, %dma_start3A_20] : memref<64x16384xf32, #tpu.memory_space<hbm>> -> memref<2x16384xf32, #tpu.memory_space<hbm>>
      tpu.enqueue_dma source(%arg6 : memref<2x16384xf32, #tpu.memory_space<vmem>>) target(%dma_start3A_21 : memref<2x16384xf32, #tpu.memory_space<hbm>>) target_semaphore(%run_scoped3A : memref<!tpu.dma_semaphore, #tpu.memory_space<semaphore_mem>>)
      %dma_wait3A_22 = arith.constant 0 : i32
      %dma_wait3A_23 = tpu.memref_slice %arg4[%mul3A_17, %dma_wait3A_22] : memref<64x16384xf32, #tpu.memory_space<hbm>> -> memref<2x16384xf32, #tpu.memory_space<hbm>>
      %dma_wait3A_24 = arith.constant 0 : i32
      %dma_wait3A_25 = tpu.memref_slice %arg4[%mul3A_17, %dma_wait3A_24] : memref<64x16384xf32, #tpu.memory_space<hbm>> -> memref<2x16384xf32, #tpu.memory_space<hbm>>
      tpu.wait_dma2 semaphore(%run_scoped3A : memref<!tpu.dma_semaphore, #tpu.memory_space<semaphore_mem>>) src(%arg6 : memref<2x16384xf32, #tpu.memory_space<vmem>>) dst(%dma_wait3A_25 : memref<2x16384xf32, #tpu.memory_space<hbm>>)
      tpu.yield
    }) : () -> ()
    return
  }
}

module attributes {stable_mosaic.version = 14 : i64} {
  func.func @_copy_body(%arg0: i32, %arg1: memref<128x16384xf32, #tpu.memory_space<vmem>>, %arg2: memref<128x16384xf32, #tpu.memory_space<vmem>>) attributes {dimension_semantics = [#tpu.dimension_semantics<arbitrary>], iteration_bounds = array<i64: 32>, scalar_prefetch = 0 : i64, scratch_operands = 0 : i64, tpu.core_type = #tpu.core_type<tc>, window_params = [{transform_indices = @transform_0, window_bounds = array<i64: 128, 16384>}, {transform_indices = @transform_1, window_bounds = array<i64: 128, 16384>}]} {
    %get3A = arith.constant 0 : index
    %get3A_0 = arith.constant 0 : index
    %get3A_1 = vector.load %arg1[%get3A, %get3A_0] : memref<128x16384xf32, #tpu.memory_space<vmem>>, vector<128x16384xf32>
    %swap3A = arith.constant 0 : index
    %swap3A_2 = arith.constant 0 : index
    %swap3A_3 = vector.load %arg2[%swap3A, %swap3A_2] : memref<128x16384xf32, #tpu.memory_space<vmem>>, vector<128x16384xf32>
    tpu.vector_store %arg2[%swap3A, %swap3A_2], %get3A_1 {strides = array<i32>} : memref<128x16384xf32, #tpu.memory_space<vmem>>, vector<128x16384xf32>,
    return
  }
  func.func @transform_0(%arg0: i32) -> (i32, i32) {
    %c0_i32 = arith.constant 0 : i32
    %c0_i32_0 = arith.constant 0 : i32
    return %arg0, %c0_i32 : i32, i32
  }
  func.func @transform_1(%arg0: i32) -> (i32, i32) {
    %c0_i32 = arith.constant 0 : i32
    %c0_i32_0 = arith.constant 0 : i32
    return %arg0, %c0_i32 : i32, i32
  }
}

module attributes {stable_mosaic.version = 14 : i64} {
  func.func @_scatter_body(%arg0: memref<64xi32, #tpu.memory_space<smem>>, %arg1: memref<4096x16384xf32, #tpu.memory_space<hbm>>, %arg2: memref<64x16384xf32, #tpu.memory_space<vmem>>, %arg3: memref<4096x16384xf32, #tpu.memory_space<hbm>>, %arg4: memref<!tpu.dma_semaphore, #tpu.memory_space<semaphore_mem>>) attributes {dimension_semantics = [], scalar_prefetch = 0 : i64, scratch_operands = 1 : i64, tpu.core_type = #tpu.core_type<tc>} {
    %get3A = arith.constant 0 : index
    %get3A_0 = memref.load %arg0[%get3A] : memref<64xi32, #tpu.memory_space<smem>>
    %get3A_1 = arith.constant 1 : index
    %get3A_2 = memref.load %arg0[%get3A_1] : memref<64xi32, #tpu.memory_space<smem>>
    %get3A_3 = arith.constant 2 : index
    %get3A_4 = memref.load %arg0[%get3A_3] : memref<64xi32, #tpu.memory_space<smem>>
    %get3A_5 = arith.constant 3 : index
    %get3A_6 = memref.load %arg0[%get3A_5] : memref<64xi32, #tpu.memory_space<smem>>
    %get3A_7 = arith.constant 4 : index
    %get3A_8 = memref.load %arg0[%get3A_7] : memref<64xi32, #tpu.memory_space<smem>>
    %get3A_9 = arith.constant 5 : index
    %get3A_10 = memref.load %arg0[%get3A_9] : memref<64xi32, #tpu.memory_space<smem>>
    %get3A_11 = arith.constant 6 : index
    %get3A_12 = memref.load %arg0[%get3A_11] : memref<64xi32, #tpu.memory_space<smem>>
    %get3A_13 = arith.constant 7 : index
    %get3A_14 = memref.load %arg0[%get3A_13] : memref<64xi32, #tpu.memory_space<smem>>
    %get3A_15 = arith.constant 8 : index
    %get3A_16 = memref.load %arg0[%get3A_15] : memref<64xi32, #tpu.memory_space<smem>>
    %get3A_17 = arith.constant 9 : index
    %get3A_18 = memref.load %arg0[%get3A_17] : memref<64xi32, #tpu.memory_space<smem>>
    %get3A_19 = arith.constant 10 : index
    %get3A_20 = memref.load %arg0[%get3A_19] : memref<64xi32, #tpu.memory_space<smem>>
    %get3A_21 = arith.constant 11 : index
    %get3A_22 = memref.load %arg0[%get3A_21] : memref<64xi32, #tpu.memory_space<smem>>
    %get3A_23 = arith.constant 12 : index
    %get3A_24 = memref.load %arg0[%get3A_23] : memref<64xi32, #tpu.memory_space<smem>>
    %get3A_25 = arith.constant 13 : index
    %get3A_26 = memref.load %arg0[%get3A_25] : memref<64xi32, #tpu.memory_space<smem>>
    %get3A_27 = arith.constant 14 : index
    %get3A_28 = memref.load %arg0[%get3A_27] : memref<64xi32, #tpu.memory_space<smem>>
    %get3A_29 = arith.constant 15 : index
    %get3A_30 = memref.load %arg0[%get3A_29] : memref<64xi32, #tpu.memory_space<smem>>
    %get3A_31 = arith.constant 16 : index
    %get3A_32 = memref.load %arg0[%get3A_31] : memref<64xi32, #tpu.memory_space<smem>>
    %get3A_33 = arith.constant 17 : index
    %get3A_34 = memref.load %arg0[%get3A_33] : memref<64xi32, #tpu.memory_space<smem>>
    %get3A_35 = arith.constant 18 : index
    %get3A_36 = memref.load %arg0[%get3A_35] : memref<64xi32, #tpu.memory_space<smem>>
    %get3A_37 = arith.constant 19 : index
    %get3A_38 = memref.load %arg0[%get3A_37] : memref<64xi32, #tpu.memory_space<smem>>
    %get3A_39 = arith.constant 20 : index
    %get3A_40 = memref.load %arg0[%get3A_39] : memref<64xi32, #tpu.memory_space<smem>>
    %get3A_41 = arith.constant 21 : index
    %get3A_42 = memref.load %arg0[%get3A_41] : memref<64xi32, #tpu.memory_space<smem>>
    %get3A_43 = arith.constant 22 : index
    %get3A_44 = memref.load %arg0[%get3A_43] : memref<64xi32, #tpu.memory_space<smem>>
    %get3A_45 = arith.constant 23 : index
    %get3A_46 = memref.load %arg0[%get3A_45] : memref<64xi32, #tpu.memory_space<smem>>
    %get3A_47 = arith.constant 24 : index
    %get3A_48 = memref.load %arg0[%get3A_47] : memref<64xi32, #tpu.memory_space<smem>>
    %get3A_49 = arith.constant 25 : index
    %get3A_50 = memref.load %arg0[%get3A_49] : memref<64xi32, #tpu.memory_space<smem>>
    %get3A_51 = arith.constant 26 : index
    %get3A_52 = memref.load %arg0[%get3A_51] : memref<64xi32, #tpu.memory_space<smem>>
    %get3A_53 = arith.constant 27 : index
    %get3A_54 = memref.load %arg0[%get3A_53] : memref<64xi32, #tpu.memory_space<smem>>
    %get3A_55 = arith.constant 28 : index
    %get3A_56 = memref.load %arg0[%get3A_55] : memref<64xi32, #tpu.memory_space<smem>>
    %get3A_57 = arith.constant 29 : index
    %get3A_58 = memref.load %arg0[%get3A_57] : memref<64xi32, #tpu.memory_space<smem>>
    %get3A_59 = arith.constant 30 : index
    %get3A_60 = memref.load %arg0[%get3A_59] : memref<64xi32, #tpu.memory_space<smem>>
    %get3A_61 = arith.constant 31 : index
    %get3A_62 = memref.load %arg0[%get3A_61] : memref<64xi32, #tpu.memory_space<smem>>
    %get3A_63 = arith.constant 32 : index
    %get3A_64 = memref.load %arg0[%get3A_63] : memref<64xi32, #tpu.memory_space<smem>>
    %get3A_65 = arith.constant 33 : index
    %get3A_66 = memref.load %arg0[%get3A_65] : memref<64xi32, #tpu.memory_space<smem>>
    %get3A_67 = arith.constant 34 : index
    %get3A_68 = memref.load %arg0[%get3A_67] : memref<64xi32, #tpu.memory_space<smem>>
    %get3A_69 = arith.constant 35 : index
    %get3A_70 = memref.load %arg0[%get3A_69] : memref<64xi32, #tpu.memory_space<smem>>
    %get3A_71 = arith.constant 36 : index
    %get3A_72 = memref.load %arg0[%get3A_71] : memref<64xi32, #tpu.memory_space<smem>>
    %get3A_73 = arith.constant 37 : index
    %get3A_74 = memref.load %arg0[%get3A_73] : memref<64xi32, #tpu.memory_space<smem>>
    %get3A_75 = arith.constant 38 : index
    %get3A_76 = memref.load %arg0[%get3A_75] : memref<64xi32, #tpu.memory_space<smem>>
    %get3A_77 = arith.constant 39 : index
    %get3A_78 = memref.load %arg0[%get3A_77] : memref<64xi32, #tpu.memory_space<smem>>
    %get3A_79 = arith.constant 40 : index
    %get3A_80 = memref.load %arg0[%get3A_79] : memref<64xi32, #tpu.memory_space<smem>>
    %get3A_81 = arith.constant 41 : index
    %get3A_82 = memref.load %arg0[%get3A_81] : memref<64xi32, #tpu.memory_space<smem>>
    %get3A_83 = arith.constant 42 : index
    %get3A_84 = memref.load %arg0[%get3A_83] : memref<64xi32, #tpu.memory_space<smem>>
    %get3A_85 = arith.constant 43 : index
    %get3A_86 = memref.load %arg0[%get3A_85] : memref<64xi32, #tpu.memory_space<smem>>
    %get3A_87 = arith.constant 44 : index
    %get3A_88 = memref.load %arg0[%get3A_87] : memref<64xi32, #tpu.memory_space<smem>>
    %get3A_89 = arith.constant 45 : index
    %get3A_90 = memref.load %arg0[%get3A_89] : memref<64xi32, #tpu.memory_space<smem>>
    %get3A_91 = arith.constant 46 : index
    %get3A_92 = memref.load %arg0[%get3A_91] : memref<64xi32, #tpu.memory_space<smem>>
    %get3A_93 = arith.constant 47 : index
    %get3A_94 = memref.load %arg0[%get3A_93] : memref<64xi32, #tpu.memory_space<smem>>
    %get3A_95 = arith.constant 48 : index
    %get3A_96 = memref.load %arg0[%get3A_95] : memref<64xi32, #tpu.memory_space<smem>>
    %get3A_97 = arith.constant 49 : index
    %get3A_98 = memref.load %arg0[%get3A_97] : memref<64xi32, #tpu.memory_space<smem>>
    %get3A_99 = arith.constant 50 : index
    %get3A_100 = memref.load %arg0[%get3A_99] : memref<64xi32, #tpu.memory_space<smem>>
    %get3A_101 = arith.constant 51 : index
    %get3A_102 = memref.load %arg0[%get3A_101] : memref<64xi32, #tpu.memory_space<smem>>
    %get3A_103 = arith.constant 52 : index
    %get3A_104 = memref.load %arg0[%get3A_103] : memref<64xi32, #tpu.memory_space<smem>>
    %get3A_105 = arith.constant 53 : index
    %get3A_106 = memref.load %arg0[%get3A_105] : memref<64xi32, #tpu.memory_space<smem>>
    %get3A_107 = arith.constant 54 : index
    %get3A_108 = memref.load %arg0[%get3A_107] : memref<64xi32, #tpu.memory_space<smem>>
    %get3A_109 = arith.constant 55 : index
    %get3A_110 = memref.load %arg0[%get3A_109] : memref<64xi32, #tpu.memory_space<smem>>
    %get3A_111 = arith.constant 56 : index
    %get3A_112 = memref.load %arg0[%get3A_111] : memref<64xi32, #tpu.memory_space<smem>>
    %get3A_113 = arith.constant 57 : index
    %get3A_114 = memref.load %arg0[%get3A_113] : memref<64xi32, #tpu.memory_space<smem>>
    %get3A_115 = arith.constant 58 : index
    %get3A_116 = memref.load %arg0[%get3A_115] : memref<64xi32, #tpu.memory_space<smem>>
    %get3A_117 = arith.constant 59 : index
    %get3A_118 = memref.load %arg0[%get3A_117] : memref<64xi32, #tpu.memory_space<smem>>
    %get3A_119 = arith.constant 60 : index
    %get3A_120 = memref.load %arg0[%get3A_119] : memref<64xi32, #tpu.memory_space<smem>>
    %get3A_121 = arith.constant 61 : index
    %get3A_122 = memref.load %arg0[%get3A_121] : memref<64xi32, #tpu.memory_space<smem>>
    %get3A_123 = arith.constant 62 : index
    %get3A_124 = memref.load %arg0[%get3A_123] : memref<64xi32, #tpu.memory_space<smem>>
    %get3A_125 = arith.constant 63 : index
    %get3A_126 = memref.load %arg0[%get3A_125] : memref<64xi32, #tpu.memory_space<smem>>
    %dma_start3A = arith.constant 0 : i32
    %dma_start3A_127 = arith.constant 0 : i32
    %dma_start3A_128 = tpu.memref_slice %arg3[%get3A_0, %dma_start3A_127] : memref<4096x16384xf32, #tpu.memory_space<hbm>> -> memref<1x16384xf32, #tpu.memory_space<hbm>>
    %dma_start3A_129 = tpu.memref_squeeze %dma_start3A_128 : memref<1x16384xf32, #tpu.memory_space<hbm>> -> memref<16384xf32, #tpu.memory_space<hbm>>
    %dma_start3A_130 = arith.constant 0 : i32
    %dma_start3A_131 = tpu.memref_slice %arg2[%dma_start3A, %dma_start3A_130] : memref<64x16384xf32, #tpu.memory_space<vmem>> -> memref<1x16384xf32, #tpu.memory_space<vmem>>
    %dma_start3A_132 = tpu.memref_squeeze %dma_start3A_131 : memref<1x16384xf32, #tpu.memory_space<vmem>> -> memref<16384xf32, #tpu.memory_space<vmem>>
    tpu.enqueue_dma source(%dma_start3A_132 : memref<16384xf32, #tpu.memory_space<vmem>>) target(%dma_start3A_129 : memref<16384xf32, #tpu.memory_space<hbm>>) target_semaphore(%arg4 : memref<!tpu.dma_semaphore, #tpu.memory_space<semaphore_mem>>)
    %dma_start3A_133 = arith.constant 1 : i32
    %dma_start3A_134 = arith.constant 0 : i32
    %dma_start3A_135 = tpu.memref_slice %arg3[%get3A_2, %dma_start3A_134] : memref<4096x16384xf32, #tpu.memory_space<hbm>> -> memref<1x16384xf32, #tpu.memory_space<hbm>>
    %dma_start3A_136 = tpu.memref_squeeze %dma_start3A_135 : memref<1x16384xf32, #tpu.memory_space<hbm>> -> memref<16384xf32, #tpu.memory_space<hbm>>
    %dma_start3A_137 = arith.constant 0 : i32
    %dma_start3A_138 = tpu.memref_slice %arg2[%dma_start3A_133, %dma_start3A_137] : memref<64x16384xf32, #tpu.memory_space<vmem>> -> memref<1x16384xf32, #tpu.memory_space<vmem>>
    %dma_start3A_139 = tpu.memref_squeeze %dma_start3A_138 : memref<1x16384xf32, #tpu.memory_space<vmem>> -> memref<16384xf32, #tpu.memory_space<vmem>>
    tpu.enqueue_dma source(%dma_start3A_139 : memref<16384xf32, #tpu.memory_space<vmem>>) target(%dma_start3A_136 : memref<16384xf32, #tpu.memory_space<hbm>>) target_semaphore(%arg4 : memref<!tpu.dma_semaphore, #tpu.memory_space<semaphore_mem>>)
    %dma_start3A_140 = arith.constant 2 : i32
    %dma_start3A_141 = arith.constant 0 : i32
    %dma_start3A_142 = tpu.memref_slice %arg3[%get3A_4, %dma_start3A_141] : memref<4096x16384xf32, #tpu.memory_space<hbm>> -> memref<1x16384xf32, #tpu.memory_space<hbm>>
    %dma_start3A_143 = tpu.memref_squeeze %dma_start3A_142 : memref<1x16384xf32, #tpu.memory_space<hbm>> -> memref<16384xf32, #tpu.memory_space<hbm>>
    %dma_start3A_144 = arith.constant 0 : i32
    %dma_start3A_145 = tpu.memref_slice %arg2[%dma_start3A_140, %dma_start3A_144] : memref<64x16384xf32, #tpu.memory_space<vmem>> -> memref<1x16384xf32, #tpu.memory_space<vmem>>
    %dma_start3A_146 = tpu.memref_squeeze %dma_start3A_145 : memref<1x16384xf32, #tpu.memory_space<vmem>> -> memref<16384xf32, #tpu.memory_space<vmem>>
    tpu.enqueue_dma source(%dma_start3A_146 : memref<16384xf32, #tpu.memory_space<vmem>>) target(%dma_start3A_143 : memref<16384xf32, #tpu.memory_space<hbm>>) target_semaphore(%arg4 : memref<!tpu.dma_semaphore, #tpu.memory_space<semaphore_mem>>)
    %dma_start3A_147 = arith.constant 3 : i32
    %dma_start3A_148 = arith.constant 0 : i32
    %dma_start3A_149 = tpu.memref_slice %arg3[%get3A_6, %dma_start3A_148] : memref<4096x16384xf32, #tpu.memory_space<hbm>> -> memref<1x16384xf32, #tpu.memory_space<hbm>>
    %dma_start3A_150 = tpu.memref_squeeze %dma_start3A_149 : memref<1x16384xf32, #tpu.memory_space<hbm>> -> memref<16384xf32, #tpu.memory_space<hbm>>
    %dma_start3A_151 = arith.constant 0 : i32
    %dma_start3A_152 = tpu.memref_slice %arg2[%dma_start3A_147, %dma_start3A_151] : memref<64x16384xf32, #tpu.memory_space<vmem>> -> memref<1x16384xf32, #tpu.memory_space<vmem>>
    %dma_start3A_153 = tpu.memref_squeeze %dma_start3A_152 : memref<1x16384xf32, #tpu.memory_space<vmem>> -> memref<16384xf32, #tpu.memory_space<vmem>>
    tpu.enqueue_dma source(%dma_start3A_153 : memref<16384xf32, #tpu.memory_space<vmem>>) target(%dma_start3A_150 : memref<16384xf32, #tpu.memory_space<hbm>>) target_semaphore(%arg4 : memref<!tpu.dma_semaphore, #tpu.memory_space<semaphore_mem>>)
    %dma_start3A_154 = arith.constant 4 : i32
    %dma_start3A_155 = arith.constant 0 : i32
    %dma_start3A_156 = tpu.memref_slice %arg3[%get3A_8, %dma_start3A_155] : memref<4096x16384xf32, #tpu.memory_space<hbm>> -> memref<1x16384xf32, #tpu.memory_space<hbm>>
    %dma_start3A_157 = tpu.memref_squeeze %dma_start3A_156 : memref<1x16384xf32, #tpu.memory_space<hbm>> -> memref<16384xf32, #tpu.memory_space<hbm>>
    %dma_start3A_158 = arith.constant 0 : i32
    %dma_start3A_159 = tpu.memref_slice %arg2[%dma_start3A_154, %dma_start3A_158] : memref<64x16384xf32, #tpu.memory_space<vmem>> -> memref<1x16384xf32, #tpu.memory_space<vmem>>
    %dma_start3A_160 = tpu.memref_squeeze %dma_start3A_159 : memref<1x16384xf32, #tpu.memory_space<vmem>> -> memref<16384xf32, #tpu.memory_space<vmem>>
    tpu.enqueue_dma source(%dma_start3A_160 : memref<16384xf32, #tpu.memory_space<vmem>>) target(%dma_start3A_157 : memref<16384xf32, #tpu.memory_space<hbm>>) target_semaphore(%arg4 : memref<!tpu.dma_semaphore, #tpu.memory_space<semaphore_mem>>)
    %dma_start3A_161 = arith.constant 5 : i32
    %dma_start3A_162 = arith.constant 0 : i32
    %dma_start3A_163 = tpu.memref_slice %arg3[%get3A_10, %dma_start3A_162] : memref<4096x16384xf32, #tpu.memory_space<hbm>> -> memref<1x16384xf32, #tpu.memory_space<hbm>>
    %dma_start3A_164 = tpu.memref_squeeze %dma_start3A_163 : memref<1x16384xf32, #tpu.memory_space<hbm>> -> memref<16384xf32, #tpu.memory_space<hbm>>
    %dma_start3A_165 = arith.constant 0 : i32
    %dma_start3A_166 = tpu.memref_slice %arg2[%dma_start3A_161, %dma_start3A_165] : memref<64x16384xf32, #tpu.memory_space<vmem>> -> memref<1x16384xf32, #tpu.memory_space<vmem>>
    %dma_start3A_167 = tpu.memref_squeeze %dma_start3A_166 : memref<1x16384xf32, #tpu.memory_space<vmem>> -> memref<16384xf32, #tpu.memory_space<vmem>>
    tpu.enqueue_dma source(%dma_start3A_167 : memref<16384xf32, #tpu.memory_space<vmem>>) target(%dma_start3A_164 : memref<16384xf32, #tpu.memory_space<hbm>>) target_semaphore(%arg4 : memref<!tpu.dma_semaphore, #tpu.memory_space<semaphore_mem>>)
    %dma_start3A_168 = arith.constant 6 : i32
    %dma_start3A_169 = arith.constant 0 : i32
    %dma_start3A_170 = tpu.memref_slice %arg3[%get3A_12, %dma_start3A_169] : memref<4096x16384xf32, #tpu.memory_space<hbm>> -> memref<1x16384xf32, #tpu.memory_space<hbm>>
    %dma_start3A_171 = tpu.memref_squeeze %dma_start3A_170 : memref<1x16384xf32, #tpu.memory_space<hbm>> -> memref<16384xf32, #tpu.memory_space<hbm>>
    %dma_start3A_172 = arith.constant 0 : i32
    %dma_start3A_173 = tpu.memref_slice %arg2[%dma_start3A_168, %dma_start3A_172] : memref<64x16384xf32, #tpu.memory_space<vmem>> -> memref<1x16384xf32, #tpu.memory_space<vmem>>
    %dma_start3A_174 = tpu.memref_squeeze %dma_start3A_173 : memref<1x16384xf32, #tpu.memory_space<vmem>> -> memref<16384xf32, #tpu.memory_space<vmem>>
    tpu.enqueue_dma source(%dma_start3A_174 : memref<16384xf32, #tpu.memory_space<vmem>>) target(%dma_start3A_171 : memref<16384xf32, #tpu.memory_space<hbm>>) target_semaphore(%arg4 : memref<!tpu.dma_semaphore, #tpu.memory_space<semaphore_mem>>)
    %dma_start3A_175 = arith.constant 7 : i32
    %dma_start3A_176 = arith.constant 0 : i32
    %dma_start3A_177 = tpu.memref_slice %arg3[%get3A_14, %dma_start3A_176] : memref<4096x16384xf32, #tpu.memory_space<hbm>> -> memref<1x16384xf32, #tpu.memory_space<hbm>>
    %dma_start3A_178 = tpu.memref_squeeze %dma_start3A_177 : memref<1x16384xf32, #tpu.memory_space<hbm>> -> memref<16384xf32, #tpu.memory_space<hbm>>
    %dma_start3A_179 = arith.constant 0 : i32
    %dma_start3A_180 = tpu.memref_slice %arg2[%dma_start3A_175, %dma_start3A_179] : memref<64x16384xf32, #tpu.memory_space<vmem>> -> memref<1x16384xf32, #tpu.memory_space<vmem>>
    %dma_start3A_181 = tpu.memref_squeeze %dma_start3A_180 : memref<1x16384xf32, #tpu.memory_space<vmem>> -> memref<16384xf32, #tpu.memory_space<vmem>>
    tpu.enqueue_dma source(%dma_start3A_181 : memref<16384xf32, #tpu.memory_space<vmem>>) target(%dma_start3A_178 : memref<16384xf32, #tpu.memory_space<hbm>>) target_semaphore(%arg4 : memref<!tpu.dma_semaphore, #tpu.memory_space<semaphore_mem>>)
    %dma_start3A_182 = arith.constant 8 : i32
    %dma_start3A_183 = arith.constant 0 : i32
    %dma_start3A_184 = tpu.memref_slice %arg3[%get3A_16, %dma_start3A_183] : memref<4096x16384xf32, #tpu.memory_space<hbm>> -> memref<1x16384xf32, #tpu.memory_space<hbm>>
    %dma_start3A_185 = tpu.memref_squeeze %dma_start3A_184 : memref<1x16384xf32, #tpu.memory_space<hbm>> -> memref<16384xf32, #tpu.memory_space<hbm>>
    %dma_start3A_186 = arith.constant 0 : i32
    %dma_start3A_187 = tpu.memref_slice %arg2[%dma_start3A_182, %dma_start3A_186] : memref<64x16384xf32, #tpu.memory_space<vmem>> -> memref<1x16384xf32, #tpu.memory_space<vmem>>
    %dma_start3A_188 = tpu.memref_squeeze %dma_start3A_187 : memref<1x16384xf32, #tpu.memory_space<vmem>> -> memref<16384xf32, #tpu.memory_space<vmem>>
    tpu.enqueue_dma source(%dma_start3A_188 : memref<16384xf32, #tpu.memory_space<vmem>>) target(%dma_start3A_185 : memref<16384xf32, #tpu.memory_space<hbm>>) target_semaphore(%arg4 : memref<!tpu.dma_semaphore, #tpu.memory_space<semaphore_mem>>)
    %dma_start3A_189 = arith.constant 9 : i32
    %dma_start3A_190 = arith.constant 0 : i32
    %dma_start3A_191 = tpu.memref_slice %arg3[%get3A_18, %dma_start3A_190] : memref<4096x16384xf32, #tpu.memory_space<hbm>> -> memref<1x16384xf32, #tpu.memory_space<hbm>>
    %dma_start3A_192 = tpu.memref_squeeze %dma_start3A_191 : memref<1x16384xf32, #tpu.memory_space<hbm>> -> memref<16384xf32, #tpu.memory_space<hbm>>
    %dma_start3A_193 = arith.constant 0 : i32
    %dma_start3A_194 = tpu.memref_slice %arg2[%dma_start3A_189, %dma_start3A_193] : memref<64x16384xf32, #tpu.memory_space<vmem>> -> memref<1x16384xf32, #tpu.memory_space<vmem>>
    %dma_start3A_195 = tpu.memref_squeeze %dma_start3A_194 : memref<1x16384xf32, #tpu.memory_space<vmem>> -> memref<16384xf32, #tpu.memory_space<vmem>>
    tpu.enqueue_dma source(%dma_start3A_195 : memref<16384xf32, #tpu.memory_space<vmem>>) target(%dma_start3A_192 : memref<16384xf32, #tpu.memory_space<hbm>>) target_semaphore(%arg4 : memref<!tpu.dma_semaphore, #tpu.memory_space<semaphore_mem>>)
    %dma_start3A_196 = arith.constant 10 : i32
    %dma_start3A_197 = arith.constant 0 : i32
    %dma_start3A_198 = tpu.memref_slice %arg3[%get3A_20, %dma_start3A_197] : memref<4096x16384xf32, #tpu.memory_space<hbm>> -> memref<1x16384xf32, #tpu.memory_space<hbm>>
    %dma_start3A_199 = tpu.memref_squeeze %dma_start3A_198 : memref<1x16384xf32, #tpu.memory_space<hbm>> -> memref<16384xf32, #tpu.memory_space<hbm>>
    %dma_start3A_200 = arith.constant 0 : i32
    %dma_start3A_201 = tpu.memref_slice %arg2[%dma_start3A_196, %dma_start3A_200] : memref<64x16384xf32, #tpu.memory_space<vmem>> -> memref<1x16384xf32, #tpu.memory_space<vmem>>
    %dma_start3A_202 = tpu.memref_squeeze %dma_start3A_201 : memref<1x16384xf32, #tpu.memory_space<vmem>> -> memref<16384xf32, #tpu.memory_space<vmem>>
    tpu.enqueue_dma source(%dma_start3A_202 : memref<16384xf32, #tpu.memory_space<vmem>>) target(%dma_start3A_199 : memref<16384xf32, #tpu.memory_space<hbm>>) target_semaphore(%arg4 : memref<!tpu.dma_semaphore, #tpu.memory_space<semaphore_mem>>)
    %dma_start3A_203 = arith.constant 11 : i32
    %dma_start3A_204 = arith.constant 0 : i32
    %dma_start3A_205 = tpu.memref_slice %arg3[%get3A_22, %dma_start3A_204] : memref<4096x16384xf32, #tpu.memory_space<hbm>> -> memref<1x16384xf32, #tpu.memory_space<hbm>>
    %dma_start3A_206 = tpu.memref_squeeze %dma_start3A_205 : memref<1x16384xf32, #tpu.memory_space<hbm>> -> memref<16384xf32, #tpu.memory_space<hbm>>
    %dma_start3A_207 = arith.constant 0 : i32
    %dma_start3A_208 = tpu.memref_slice %arg2[%dma_start3A_203, %dma_start3A_207] : memref<64x16384xf32, #tpu.memory_space<vmem>> -> memref<1x16384xf32, #tpu.memory_space<vmem>>
    %dma_start3A_209 = tpu.memref_squeeze %dma_start3A_208 : memref<1x16384xf32, #tpu.memory_space<vmem>> -> memref<16384xf32, #tpu.memory_space<vmem>>
    tpu.enqueue_dma source(%dma_start3A_209 : memref<16384xf32, #tpu.memory_space<vmem>>) target(%dma_start3A_206 : memref<16384xf32, #tpu.memory_space<hbm>>) target_semaphore(%arg4 : memref<!tpu.dma_semaphore, #tpu.memory_space<semaphore_mem>>)
    %dma_start3A_210 = arith.constant 12 : i32
    %dma_start3A_211 = arith.constant 0 : i32
    %dma_start3A_212 = tpu.memref_slice %arg3[%get3A_24, %dma_start3A_211] : memref<4096x16384xf32, #tpu.memory_space<hbm>> -> memref<1x16384xf32, #tpu.memory_space<hbm>>
    %dma_start3A_213 = tpu.memref_squeeze %dma_start3A_212 : memref<1x16384xf32, #tpu.memory_space<hbm>> -> memref<16384xf32, #tpu.memory_space<hbm>>
    %dma_start3A_214 = arith.constant 0 : i32
    %dma_start3A_215 = tpu.memref_slice %arg2[%dma_start3A_210, %dma_start3A_214] : memref<64x16384xf32, #tpu.memory_space<vmem>> -> memref<1x16384xf32, #tpu.memory_space<vmem>>
    %dma_start3A_216 = tpu.memref_squeeze %dma_start3A_215 : memref<1x16384xf32, #tpu.memory_space<vmem>> -> memref<16384xf32, #tpu.memory_space<vmem>>
    tpu.enqueue_dma source(%dma_start3A_216 : memref<16384xf32, #tpu.memory_space<vmem>>) target(%dma_start3A_213 : memref<16384xf32, #tpu.memory_space<hbm>>) target_semaphore(%arg4 : memref<!tpu.dma_semaphore, #tpu.memory_space<semaphore_mem>>)
    %dma_start3A_217 = arith.constant 13 : i32
    %dma_start3A_218 = arith.constant 0 : i32
    %dma_start3A_219 = tpu.memref_slice %arg3[%get3A_26, %dma_start3A_218] : memref<4096x16384xf32, #tpu.memory_space<hbm>> -> memref<1x16384xf32, #tpu.memory_space<hbm>>
    %dma_start3A_220 = tpu.memref_squeeze %dma_start3A_219 : memref<1x16384xf32, #tpu.memory_space<hbm>> -> memref<16384xf32, #tpu.memory_space<hbm>>
    %dma_start3A_221 = arith.constant 0 : i32
    %dma_start3A_222 = tpu.memref_slice %arg2[%dma_start3A_217, %dma_start3A_221] : memref<64x16384xf32, #tpu.memory_space<vmem>> -> memref<1x16384xf32, #tpu.memory_space<vmem>>
    %dma_start3A_223 = tpu.memref_squeeze %dma_start3A_222 : memref<1x16384xf32, #tpu.memory_space<vmem>> -> memref<16384xf32, #tpu.memory_space<vmem>>
    tpu.enqueue_dma source(%dma_start3A_223 : memref<16384xf32, #tpu.memory_space<vmem>>) target(%dma_start3A_220 : memref<16384xf32, #tpu.memory_space<hbm>>) target_semaphore(%arg4 : memref<!tpu.dma_semaphore, #tpu.memory_space<semaphore_mem>>)
    %dma_start3A_224 = arith.constant 14 : i32
    %dma_start3A_225 = arith.constant 0 : i32
    %dma_start3A_226 = tpu.memref_slice %arg3[%get3A_28, %dma_start3A_225] : memref<4096x16384xf32, #tpu.memory_space<hbm>> -> memref<1x16384xf32, #tpu.memory_space<hbm>>
    %dma_start3A_227 = tpu.memref_squeeze %dma_start3A_226 : memref<1x16384xf32, #tpu.memory_space<hbm>> -> memref<16384xf32, #tpu.memory_space<hbm>>
    %dma_start3A_228 = arith.constant 0 : i32
    %dma_start3A_229 = tpu.memref_slice %arg2[%dma_start3A_224, %dma_start3A_228] : memref<64x16384xf32, #tpu.memory_space<vmem>> -> memref<1x16384xf32, #tpu.memory_space<vmem>>
    %dma_start3A_230 = tpu.memref_squeeze %dma_start3A_229 : memref<1x16384xf32, #tpu.memory_space<vmem>> -> memref<16384xf32, #tpu.memory_space<vmem>>
    tpu.enqueue_dma source(%dma_start3A_230 : memref<16384xf32, #tpu.memory_space<vmem>>) target(%dma_start3A_227 : memref<16384xf32, #tpu.memory_space<hbm>>) target_semaphore(%arg4 : memref<!tpu.dma_semaphore, #tpu.memory_space<semaphore_mem>>)
    %dma_start3A_231 = arith.constant 15 : i32
    %dma_start3A_232 = arith.constant 0 : i32
    %dma_start3A_233 = tpu.memref_slice %arg3[%get3A_30, %dma_start3A_232] : memref<4096x16384xf32, #tpu.memory_space<hbm>> -> memref<1x16384xf32, #tpu.memory_space<hbm>>
    %dma_start3A_234 = tpu.memref_squeeze %dma_start3A_233 : memref<1x16384xf32, #tpu.memory_space<hbm>> -> memref<16384xf32, #tpu.memory_space<hbm>>
    %dma_start3A_235 = arith.constant 0 : i32
    %dma_start3A_236 = tpu.memref_slice %arg2[%dma_start3A_231, %dma_start3A_235] : memref<64x16384xf32, #tpu.memory_space<vmem>> -> memref<1x16384xf32, #tpu.memory_space<vmem>>
    %dma_start3A_237 = tpu.memref_squeeze %dma_start3A_236 : memref<1x16384xf32, #tpu.memory_space<vmem>> -> memref<16384xf32, #tpu.memory_space<vmem>>
    tpu.enqueue_dma source(%dma_start3A_237 : memref<16384xf32, #tpu.memory_space<vmem>>) target(%dma_start3A_234 : memref<16384xf32, #tpu.memory_space<hbm>>) target_semaphore(%arg4 : memref<!tpu.dma_semaphore, #tpu.memory_space<semaphore_mem>>)
    %dma_start3A_238 = arith.constant 16 : i32
    %dma_start3A_239 = arith.constant 0 : i32
    %dma_start3A_240 = tpu.memref_slice %arg3[%get3A_32, %dma_start3A_239] : memref<4096x16384xf32, #tpu.memory_space<hbm>> -> memref<1x16384xf32, #tpu.memory_space<hbm>>
    %dma_start3A_241 = tpu.memref_squeeze %dma_start3A_240 : memref<1x16384xf32, #tpu.memory_space<hbm>> -> memref<16384xf32, #tpu.memory_space<hbm>>
    %dma_start3A_242 = arith.constant 0 : i32
    %dma_start3A_243 = tpu.memref_slice %arg2[%dma_start3A_238, %dma_start3A_242] : memref<64x16384xf32, #tpu.memory_space<vmem>> -> memref<1x16384xf32, #tpu.memory_space<vmem>>
    %dma_start3A_244 = tpu.memref_squeeze %dma_start3A_243 : memref<1x16384xf32, #tpu.memory_space<vmem>> -> memref<16384xf32, #tpu.memory_space<vmem>>
    tpu.enqueue_dma source(%dma_start3A_244 : memref<16384xf32, #tpu.memory_space<vmem>>) target(%dma_start3A_241 : memref<16384xf32, #tpu.memory_space<hbm>>) target_semaphore(%arg4 : memref<!tpu.dma_semaphore, #tpu.memory_space<semaphore_mem>>)
    %dma_start3A_245 = arith.constant 17 : i32
    %dma_start3A_246 = arith.constant 0 : i32
    %dma_start3A_247 = tpu.memref_slice %arg3[%get3A_34, %dma_start3A_246] : memref<4096x16384xf32, #tpu.memory_space<hbm>> -> memref<1x16384xf32, #tpu.memory_space<hbm>>
    %dma_start3A_248 = tpu.memref_squeeze %dma_start3A_247 : memref<1x16384xf32, #tpu.memory_space<hbm>> -> memref<16384xf32, #tpu.memory_space<hbm>>
    %dma_start3A_249 = arith.constant 0 : i32
    %dma_start3A_250 = tpu.memref_slice %arg2[%dma_start3A_245, %dma_start3A_249] : memref<64x16384xf32, #tpu.memory_space<vmem>> -> memref<1x16384xf32, #tpu.memory_space<vmem>>
    %dma_start3A_251 = tpu.memref_squeeze %dma_start3A_250 : memref<1x16384xf32, #tpu.memory_space<vmem>> -> memref<16384xf32, #tpu.memory_space<vmem>>
    tpu.enqueue_dma source(%dma_start3A_251 : memref<16384xf32, #tpu.memory_space<vmem>>) target(%dma_start3A_248 : memref<16384xf32, #tpu.memory_space<hbm>>) target_semaphore(%arg4 : memref<!tpu.dma_semaphore, #tpu.memory_space<semaphore_mem>>)
    %dma_start3A_252 = arith.constant 18 : i32
    %dma_start3A_253 = arith.constant 0 : i32
    %dma_start3A_254 = tpu.memref_slice %arg3[%get3A_36, %dma_start3A_253] : memref<4096x16384xf32, #tpu.memory_space<hbm>> -> memref<1x16384xf32, #tpu.memory_space<hbm>>
    %dma_start3A_255 = tpu.memref_squeeze %dma_start3A_254 : memref<1x16384xf32, #tpu.memory_space<hbm>> -> memref<16384xf32, #tpu.memory_space<hbm>>
    %dma_start3A_256 = arith.constant 0 : i32
    %dma_start3A_257 = tpu.memref_slice %arg2[%dma_start3A_252, %dma_start3A_256] : memref<64x16384xf32, #tpu.memory_space<vmem>> -> memref<1x16384xf32, #tpu.memory_space<vmem>>
    %dma_start3A_258 = tpu.memref_squeeze %dma_start3A_257 : memref<1x16384xf32, #tpu.memory_space<vmem>> -> memref<16384xf32, #tpu.memory_space<vmem>>
    tpu.enqueue_dma source(%dma_start3A_258 : memref<16384xf32, #tpu.memory_space<vmem>>) target(%dma_start3A_255 : memref<16384xf32, #tpu.memory_space<hbm>>) target_semaphore(%arg4 : memref<!tpu.dma_semaphore, #tpu.memory_space<semaphore_mem>>)
    %dma_start3A_259 = arith.constant 19 : i32
    %dma_start3A_260 = arith.constant 0 : i32
    %dma_start3A_261 = tpu.memref_slice %arg3[%get3A_38, %dma_start3A_260] : memref<4096x16384xf32, #tpu.memory_space<hbm>> -> memref<1x16384xf32, #tpu.memory_space<hbm>>
    %dma_start3A_262 = tpu.memref_squeeze %dma_start3A_261 : memref<1x16384xf32, #tpu.memory_space<hbm>> -> memref<16384xf32, #tpu.memory_space<hbm>>
    %dma_start3A_263 = arith.constant 0 : i32
    %dma_start3A_264 = tpu.memref_slice %arg2[%dma_start3A_259, %dma_start3A_263] : memref<64x16384xf32, #tpu.memory_space<vmem>> -> memref<1x16384xf32, #tpu.memory_space<vmem>>
    %dma_start3A_265 = tpu.memref_squeeze %dma_start3A_264 : memref<1x16384xf32, #tpu.memory_space<vmem>> -> memref<16384xf32, #tpu.memory_space<vmem>>
    tpu.enqueue_dma source(%dma_start3A_265 : memref<16384xf32, #tpu.memory_space<vmem>>) target(%dma_start3A_262 : memref<16384xf32, #tpu.memory_space<hbm>>) target_semaphore(%arg4 : memref<!tpu.dma_semaphore, #tpu.memory_space<semaphore_mem>>)
    %dma_start3A_266 = arith.constant 20 : i32
    %dma_start3A_267 = arith.constant 0 : i32
    %dma_start3A_268 = tpu.memref_slice %arg3[%get3A_40, %dma_start3A_267] : memref<4096x16384xf32, #tpu.memory_space<hbm>> -> memref<1x16384xf32, #tpu.memory_space<hbm>>
    %dma_start3A_269 = tpu.memref_squeeze %dma_start3A_268 : memref<1x16384xf32, #tpu.memory_space<hbm>> -> memref<16384xf32, #tpu.memory_space<hbm>>
    %dma_start3A_270 = arith.constant 0 : i32
    %dma_start3A_271 = tpu.memref_slice %arg2[%dma_start3A_266, %dma_start3A_270] : memref<64x16384xf32, #tpu.memory_space<vmem>> -> memref<1x16384xf32, #tpu.memory_space<vmem>>
    %dma_start3A_272 = tpu.memref_squeeze %dma_start3A_271 : memref<1x16384xf32, #tpu.memory_space<vmem>> -> memref<16384xf32, #tpu.memory_space<vmem>>
    tpu.enqueue_dma source(%dma_start3A_272 : memref<16384xf32, #tpu.memory_space<vmem>>) target(%dma_start3A_269 : memref<16384xf32, #tpu.memory_space<hbm>>) target_semaphore(%arg4 : memref<!tpu.dma_semaphore, #tpu.memory_space<semaphore_mem>>)
    %dma_start3A_273 = arith.constant 21 : i32
    %dma_start3A_274 = arith.constant 0 : i32
    %dma_start3A_275 = tpu.memref_slice %arg3[%get3A_42, %dma_start3A_274] : memref<4096x16384xf32, #tpu.memory_space<hbm>> -> memref<1x16384xf32, #tpu.memory_space<hbm>>
    %dma_start3A_276 = tpu.memref_squeeze %dma_start3A_275 : memref<1x16384xf32, #tpu.memory_space<hbm>> -> memref<16384xf32, #tpu.memory_space<hbm>>
    %dma_start3A_277 = arith.constant 0 : i32
    %dma_start3A_278 = tpu.memref_slice %arg2[%dma_start3A_273, %dma_start3A_277] : memref<64x16384xf32, #tpu.memory_space<vmem>> -> memref<1x16384xf32, #tpu.memory_space<vmem>>
    %dma_start3A_279 = tpu.memref_squeeze %dma_start3A_278 : memref<1x16384xf32, #tpu.memory_space<vmem>> -> memref<16384xf32, #tpu.memory_space<vmem>>
    tpu.enqueue_dma source(%dma_start3A_279 : memref<16384xf32, #tpu.memory_space<vmem>>) target(%dma_start3A_276 : memref<16384xf32, #tpu.memory_space<hbm>>) target_semaphore(%arg4 : memref<!tpu.dma_semaphore, #tpu.memory_space<semaphore_mem>>)
    %dma_start3A_280 = arith.constant 22 : i32
    %dma_start3A_281 = arith.constant 0 : i32
    %dma_start3A_282 = tpu.memref_slice %arg3[%get3A_44, %dma_start3A_281] : memref<4096x16384xf32, #tpu.memory_space<hbm>> -> memref<1x16384xf32, #tpu.memory_space<hbm>>
    %dma_start3A_283 = tpu.memref_squeeze %dma_start3A_282 : memref<1x16384xf32, #tpu.memory_space<hbm>> -> memref<16384xf32, #tpu.memory_space<hbm>>
    %dma_start3A_284 = arith.constant 0 : i32
    %dma_start3A_285 = tpu.memref_slice %arg2[%dma_start3A_280, %dma_start3A_284] : memref<64x16384xf32, #tpu.memory_space<vmem>> -> memref<1x16384xf32, #tpu.memory_space<vmem>>
    %dma_start3A_286 = tpu.memref_squeeze %dma_start3A_285 : memref<1x16384xf32, #tpu.memory_space<vmem>> -> memref<16384xf32, #tpu.memory_space<vmem>>
    tpu.enqueue_dma source(%dma_start3A_286 : memref<16384xf32, #tpu.memory_space<vmem>>) target(%dma_start3A_283 : memref<16384xf32, #tpu.memory_space<hbm>>) target_semaphore(%arg4 : memref<!tpu.dma_semaphore, #tpu.memory_space<semaphore_mem>>)
    %dma_start3A_287 = arith.constant 23 : i32
    %dma_start3A_288 = arith.constant 0 : i32
    %dma_start3A_289 = tpu.memref_slice %arg3[%get3A_46, %dma_start3A_288] : memref<4096x16384xf32, #tpu.memory_space<hbm>> -> memref<1x16384xf32, #tpu.memory_space<hbm>>
    %dma_start3A_290 = tpu.memref_squeeze %dma_start3A_289 : memref<1x16384xf32, #tpu.memory_space<hbm>> -> memref<16384xf32, #tpu.memory_space<hbm>>
    %dma_start3A_291 = arith.constant 0 : i32
    %dma_start3A_292 = tpu.memref_slice %arg2[%dma_start3A_287, %dma_start3A_291] : memref<64x16384xf32, #tpu.memory_space<vmem>> -> memref<1x16384xf32, #tpu.memory_space<vmem>>
    %dma_start3A_293 = tpu.memref_squeeze %dma_start3A_292 : memref<1x16384xf32, #tpu.memory_space<vmem>> -> memref<16384xf32, #tpu.memory_space<vmem>>
    tpu.enqueue_dma source(%dma_start3A_293 : memref<16384xf32, #tpu.memory_space<vmem>>) target(%dma_start3A_290 : memref<16384xf32, #tpu.memory_space<hbm>>) target_semaphore(%arg4 : memref<!tpu.dma_semaphore, #tpu.memory_space<semaphore_mem>>)
    %dma_start3A_294 = arith.constant 24 : i32
    %dma_start3A_295 = arith.constant 0 : i32
    %dma_start3A_296 = tpu.memref_slice %arg3[%get3A_48, %dma_start3A_295] : memref<4096x16384xf32, #tpu.memory_space<hbm>> -> memref<1x16384xf32, #tpu.memory_space<hbm>>
    %dma_start3A_297 = tpu.memref_squeeze %dma_start3A_296 : memref<1x16384xf32, #tpu.memory_space<hbm>> -> memref<16384xf32, #tpu.memory_space<hbm>>
    %dma_start3A_298 = arith.constant 0 : i32
    %dma_start3A_299 = tpu.memref_slice %arg2[%dma_start3A_294, %dma_start3A_298] : memref<64x16384xf32, #tpu.memory_space<vmem>> -> memref<1x16384xf32, #tpu.memory_space<vmem>>
    %dma_start3A_300 = tpu.memref_squeeze %dma_start3A_299 : memref<1x16384xf32, #tpu.memory_space<vmem>> -> memref<16384xf32, #tpu.memory_space<vmem>>
    tpu.enqueue_dma source(%dma_start3A_300 : memref<16384xf32, #tpu.memory_space<vmem>>) target(%dma_start3A_297 : memref<16384xf32, #tpu.memory_space<hbm>>) target_semaphore(%arg4 : memref<!tpu.dma_semaphore, #tpu.memory_space<semaphore_mem>>)
    %dma_start3A_301 = arith.constant 25 : i32
    %dma_start3A_302 = arith.constant 0 : i32
    %dma_start3A_303 = tpu.memref_slice %arg3[%get3A_50, %dma_start3A_302] : memref<4096x16384xf32, #tpu.memory_space<hbm>> -> memref<1x16384xf32, #tpu.memory_space<hbm>>
    %dma_start3A_304 = tpu.memref_squeeze %dma_start3A_303 : memref<1x16384xf32, #tpu.memory_space<hbm>> -> memref<16384xf32, #tpu.memory_space<hbm>>
    %dma_start3A_305 = arith.constant 0 : i32
    %dma_start3A_306 = tpu.memref_slice %arg2[%dma_start3A_301, %dma_start3A_305] : memref<64x16384xf32, #tpu.memory_space<vmem>> -> memref<1x16384xf32, #tpu.memory_space<vmem>>
    %dma_start3A_307 = tpu.memref_squeeze %dma_start3A_306 : memref<1x16384xf32, #tpu.memory_space<vmem>> -> memref<16384xf32, #tpu.memory_space<vmem>>
    tpu.enqueue_dma source(%dma_start3A_307 : memref<16384xf32, #tpu.memory_space<vmem>>) target(%dma_start3A_304 : memref<16384xf32, #tpu.memory_space<hbm>>) target_semaphore(%arg4 : memref<!tpu.dma_semaphore, #tpu.memory_space<semaphore_mem>>)
    %dma_start3A_308 = arith.constant 26 : i32
    %dma_start3A_309 = arith.constant 0 : i32
    %dma_start3A_310 = tpu.memref_slice %arg3[%get3A_52, %dma_start3A_309] : memref<4096x16384xf32, #tpu.memory_space<hbm>> -> memref<1x16384xf32, #tpu.memory_space<hbm>>
    %dma_start3A_311 = tpu.memref_squeeze %dma_start3A_310 : memref<1x16384xf32, #tpu.memory_space<hbm>> -> memref<16384xf32, #tpu.memory_space<hbm>>
    %dma_start3A_312 = arith.constant 0 : i32
    %dma_start3A_313 = tpu.memref_slice %arg2[%dma_start3A_308, %dma_start3A_312] : memref<64x16384xf32, #tpu.memory_space<vmem>> -> memref<1x16384xf32, #tpu.memory_space<vmem>>
    %dma_start3A_314 = tpu.memref_squeeze %dma_start3A_313 : memref<1x16384xf32, #tpu.memory_space<vmem>> -> memref<16384xf32, #tpu.memory_space<vmem>>
    tpu.enqueue_dma source(%dma_start3A_314 : memref<16384xf32, #tpu.memory_space<vmem>>) target(%dma_start3A_311 : memref<16384xf32, #tpu.memory_space<hbm>>) target_semaphore(%arg4 : memref<!tpu.dma_semaphore, #tpu.memory_space<semaphore_mem>>)
    %dma_start3A_315 = arith.constant 27 : i32
    %dma_start3A_316 = arith.constant 0 : i32
    %dma_start3A_317 = tpu.memref_slice %arg3[%get3A_54, %dma_start3A_316] : memref<4096x16384xf32, #tpu.memory_space<hbm>> -> memref<1x16384xf32, #tpu.memory_space<hbm>>
    %dma_start3A_318 = tpu.memref_squeeze %dma_start3A_317 : memref<1x16384xf32, #tpu.memory_space<hbm>> -> memref<16384xf32, #tpu.memory_space<hbm>>
    %dma_start3A_319 = arith.constant 0 : i32
    %dma_start3A_320 = tpu.memref_slice %arg2[%dma_start3A_315, %dma_start3A_319] : memref<64x16384xf32, #tpu.memory_space<vmem>> -> memref<1x16384xf32, #tpu.memory_space<vmem>>
    %dma_start3A_321 = tpu.memref_squeeze %dma_start3A_320 : memref<1x16384xf32, #tpu.memory_space<vmem>> -> memref<16384xf32, #tpu.memory_space<vmem>>
    tpu.enqueue_dma source(%dma_start3A_321 : memref<16384xf32, #tpu.memory_space<vmem>>) target(%dma_start3A_318 : memref<16384xf32, #tpu.memory_space<hbm>>) target_semaphore(%arg4 : memref<!tpu.dma_semaphore, #tpu.memory_space<semaphore_mem>>)
    %dma_start3A_322 = arith.constant 28 : i32
    %dma_start3A_323 = arith.constant 0 : i32
    %dma_start3A_324 = tpu.memref_slice %arg3[%get3A_56, %dma_start3A_323] : memref<4096x16384xf32, #tpu.memory_space<hbm>> -> memref<1x16384xf32, #tpu.memory_space<hbm>>
    %dma_start3A_325 = tpu.memref_squeeze %dma_start3A_324 : memref<1x16384xf32, #tpu.memory_space<hbm>> -> memref<16384xf32, #tpu.memory_space<hbm>>
    %dma_start3A_326 = arith.constant 0 : i32
    %dma_start3A_327 = tpu.memref_slice %arg2[%dma_start3A_322, %dma_start3A_326] : memref<64x16384xf32, #tpu.memory_space<vmem>> -> memref<1x16384xf32, #tpu.memory_space<vmem>>
    %dma_start3A_328 = tpu.memref_squeeze %dma_start3A_327 : memref<1x16384xf32, #tpu.memory_space<vmem>> -> memref<16384xf32, #tpu.memory_space<vmem>>
    tpu.enqueue_dma source(%dma_start3A_328 : memref<16384xf32, #tpu.memory_space<vmem>>) target(%dma_start3A_325 : memref<16384xf32, #tpu.memory_space<hbm>>) target_semaphore(%arg4 : memref<!tpu.dma_semaphore, #tpu.memory_space<semaphore_mem>>)
    %dma_start3A_329 = arith.constant 29 : i32
    %dma_start3A_330 = arith.constant 0 : i32
    %dma_start3A_331 = tpu.memref_slice %arg3[%get3A_58, %dma_start3A_330] : memref<4096x16384xf32, #tpu.memory_space<hbm>> -> memref<1x16384xf32, #tpu.memory_space<hbm>>
    %dma_start3A_332 = tpu.memref_squeeze %dma_start3A_331 : memref<1x16384xf32, #tpu.memory_space<hbm>> -> memref<16384xf32, #tpu.memory_space<hbm>>
    %dma_start3A_333 = arith.constant 0 : i32
    %dma_start3A_334 = tpu.memref_slice %arg2[%dma_start3A_329, %dma_start3A_333] : memref<64x16384xf32, #tpu.memory_space<vmem>> -> memref<1x16384xf32, #tpu.memory_space<vmem>>
    %dma_start3A_335 = tpu.memref_squeeze %dma_start3A_334 : memref<1x16384xf32, #tpu.memory_space<vmem>> -> memref<16384xf32, #tpu.memory_space<vmem>>
    tpu.enqueue_dma source(%dma_start3A_335 : memref<16384xf32, #tpu.memory_space<vmem>>) target(%dma_start3A_332 : memref<16384xf32, #tpu.memory_space<hbm>>) target_semaphore(%arg4 : memref<!tpu.dma_semaphore, #tpu.memory_space<semaphore_mem>>)
    %dma_start3A_336 = arith.constant 30 : i32
    %dma_start3A_337 = arith.constant 0 : i32
    %dma_start3A_338 = tpu.memref_slice %arg3[%get3A_60, %dma_start3A_337] : memref<4096x16384xf32, #tpu.memory_space<hbm>> -> memref<1x16384xf32, #tpu.memory_space<hbm>>
    %dma_start3A_339 = tpu.memref_squeeze %dma_start3A_338 : memref<1x16384xf32, #tpu.memory_space<hbm>> -> memref<16384xf32, #tpu.memory_space<hbm>>
    %dma_start3A_340 = arith.constant 0 : i32
    %dma_start3A_341 = tpu.memref_slice %arg2[%dma_start3A_336, %dma_start3A_340] : memref<64x16384xf32, #tpu.memory_space<vmem>> -> memref<1x16384xf32, #tpu.memory_space<vmem>>
    %dma_start3A_342 = tpu.memref_squeeze %dma_start3A_341 : memref<1x16384xf32, #tpu.memory_space<vmem>> -> memref<16384xf32, #tpu.memory_space<vmem>>
    tpu.enqueue_dma source(%dma_start3A_342 : memref<16384xf32, #tpu.memory_space<vmem>>) target(%dma_start3A_339 : memref<16384xf32, #tpu.memory_space<hbm>>) target_semaphore(%arg4 : memref<!tpu.dma_semaphore, #tpu.memory_space<semaphore_mem>>)
    %dma_start3A_343 = arith.constant 31 : i32
    %dma_start3A_344 = arith.constant 0 : i32
    %dma_start3A_345 = tpu.memref_slice %arg3[%get3A_62, %dma_start3A_344] : memref<4096x16384xf32, #tpu.memory_space<hbm>> -> memref<1x16384xf32, #tpu.memory_space<hbm>>
    %dma_start3A_346 = tpu.memref_squeeze %dma_start3A_345 : memref<1x16384xf32, #tpu.memory_space<hbm>> -> memref<16384xf32, #tpu.memory_space<hbm>>
    %dma_start3A_347 = arith.constant 0 : i32
    %dma_start3A_348 = tpu.memref_slice %arg2[%dma_start3A_343, %dma_start3A_347] : memref<64x16384xf32, #tpu.memory_space<vmem>> -> memref<1x16384xf32, #tpu.memory_space<vmem>>
    %dma_start3A_349 = tpu.memref_squeeze %dma_start3A_348 : memref<1x16384xf32, #tpu.memory_space<vmem>> -> memref<16384xf32, #tpu.memory_space<vmem>>
    tpu.enqueue_dma source(%dma_start3A_349 : memref<16384xf32, #tpu.memory_space<vmem>>) target(%dma_start3A_346 : memref<16384xf32, #tpu.memory_space<hbm>>) target_semaphore(%arg4 : memref<!tpu.dma_semaphore, #tpu.memory_space<semaphore_mem>>)
    %dma_start3A_350 = arith.constant 32 : i32
    %dma_start3A_351 = arith.constant 0 : i32
    %dma_start3A_352 = tpu.memref_slice %arg3[%get3A_64, %dma_start3A_351] : memref<4096x16384xf32, #tpu.memory_space<hbm>> -> memref<1x16384xf32, #tpu.memory_space<hbm>>
    %dma_start3A_353 = tpu.memref_squeeze %dma_start3A_352 : memref<1x16384xf32, #tpu.memory_space<hbm>> -> memref<16384xf32, #tpu.memory_space<hbm>>
    %dma_start3A_354 = arith.constant 0 : i32
    %dma_start3A_355 = tpu.memref_slice %arg2[%dma_start3A_350, %dma_start3A_354] : memref<64x16384xf32, #tpu.memory_space<vmem>> -> memref<1x16384xf32, #tpu.memory_space<vmem>>
    %dma_start3A_356 = tpu.memref_squeeze %dma_start3A_355 : memref<1x16384xf32, #tpu.memory_space<vmem>> -> memref<16384xf32, #tpu.memory_space<vmem>>
    tpu.enqueue_dma source(%dma_start3A_356 : memref<16384xf32, #tpu.memory_space<vmem>>) target(%dma_start3A_353 : memref<16384xf32, #tpu.memory_space<hbm>>) target_semaphore(%arg4 : memref<!tpu.dma_semaphore, #tpu.memory_space<semaphore_mem>>)
    %dma_start3A_357 = arith.constant 33 : i32
    %dma_start3A_358 = arith.constant 0 : i32
    %dma_start3A_359 = tpu.memref_slice %arg3[%get3A_66, %dma_start3A_358] : memref<4096x16384xf32, #tpu.memory_space<hbm>> -> memref<1x16384xf32, #tpu.memory_space<hbm>>
    %dma_start3A_360 = tpu.memref_squeeze %dma_start3A_359 : memref<1x16384xf32, #tpu.memory_space<hbm>> -> memref<16384xf32, #tpu.memory_space<hbm>>
    %dma_start3A_361 = arith.constant 0 : i32
    %dma_start3A_362 = tpu.memref_slice %arg2[%dma_start3A_357, %dma_start3A_361] : memref<64x16384xf32, #tpu.memory_space<vmem>> -> memref<1x16384xf32, #tpu.memory_space<vmem>>
    %dma_start3A_363 = tpu.memref_squeeze %dma_start3A_362 : memref<1x16384xf32, #tpu.memory_space<vmem>> -> memref<16384xf32, #tpu.memory_space<vmem>>
    tpu.enqueue_dma source(%dma_start3A_363 : memref<16384xf32, #tpu.memory_space<vmem>>) target(%dma_start3A_360 : memref<16384xf32, #tpu.memory_space<hbm>>) target_semaphore(%arg4 : memref<!tpu.dma_semaphore, #tpu.memory_space<semaphore_mem>>)
    %dma_start3A_364 = arith.constant 34 : i32
    %dma_start3A_365 = arith.constant 0 : i32
    %dma_start3A_366 = tpu.memref_slice %arg3[%get3A_68, %dma_start3A_365] : memref<4096x16384xf32, #tpu.memory_space<hbm>> -> memref<1x16384xf32, #tpu.memory_space<hbm>>
    %dma_start3A_367 = tpu.memref_squeeze %dma_start3A_366 : memref<1x16384xf32, #tpu.memory_space<hbm>> -> memref<16384xf32, #tpu.memory_space<hbm>>
    %dma_start3A_368 = arith.constant 0 : i32
    %dma_start3A_369 = tpu.memref_slice %arg2[%dma_start3A_364, %dma_start3A_368] : memref<64x16384xf32, #tpu.memory_space<vmem>> -> memref<1x16384xf32, #tpu.memory_space<vmem>>
    %dma_start3A_370 = tpu.memref_squeeze %dma_start3A_369 : memref<1x16384xf32, #tpu.memory_space<vmem>> -> memref<16384xf32, #tpu.memory_space<vmem>>
    tpu.enqueue_dma source(%dma_start3A_370 : memref<16384xf32, #tpu.memory_space<vmem>>) target(%dma_start3A_367 : memref<16384xf32, #tpu.memory_space<hbm>>) target_semaphore(%arg4 : memref<!tpu.dma_semaphore, #tpu.memory_space<semaphore_mem>>)
    %dma_start3A_371 = arith.constant 35 : i32
    %dma_start3A_372 = arith.constant 0 : i32
    %dma_start3A_373 = tpu.memref_slice %arg3[%get3A_70, %dma_start3A_372] : memref<4096x16384xf32, #tpu.memory_space<hbm>> -> memref<1x16384xf32, #tpu.memory_space<hbm>>
    %dma_start3A_374 = tpu.memref_squeeze %dma_start3A_373 : memref<1x16384xf32, #tpu.memory_space<hbm>> -> memref<16384xf32, #tpu.memory_space<hbm>>
    %dma_start3A_375 = arith.constant 0 : i32
    %dma_start3A_376 = tpu.memref_slice %arg2[%dma_start3A_371, %dma_start3A_375] : memref<64x16384xf32, #tpu.memory_space<vmem>> -> memref<1x16384xf32, #tpu.memory_space<vmem>>
    %dma_start3A_377 = tpu.memref_squeeze %dma_start3A_376 : memref<1x16384xf32, #tpu.memory_space<vmem>> -> memref<16384xf32, #tpu.memory_space<vmem>>
    tpu.enqueue_dma source(%dma_start3A_377 : memref<16384xf32, #tpu.memory_space<vmem>>) target(%dma_start3A_374 : memref<16384xf32, #tpu.memory_space<hbm>>) target_semaphore(%arg4 : memref<!tpu.dma_semaphore, #tpu.memory_space<semaphore_mem>>)
    %dma_start3A_378 = arith.constant 36 : i32
    %dma_start3A_379 = arith.constant 0 : i32
    %dma_start3A_380 = tpu.memref_slice %arg3[%get3A_72, %dma_start3A_379] : memref<4096x16384xf32, #tpu.memory_space<hbm>> -> memref<1x16384xf32, #tpu.memory_space<hbm>>
    %dma_start3A_381 = tpu.memref_squeeze %dma_start3A_380 : memref<1x16384xf32, #tpu.memory_space<hbm>> -> memref<16384xf32, #tpu.memory_space<hbm>>
    %dma_start3A_382 = arith.constant 0 : i32
    %dma_start3A_383 = tpu.memref_slice %arg2[%dma_start3A_378, %dma_start3A_382] : memref<64x16384xf32, #tpu.memory_space<vmem>> -> memref<1x16384xf32, #tpu.memory_space<vmem>>
    %dma_start3A_384 = tpu.memref_squeeze %dma_start3A_383 : memref<1x16384xf32, #tpu.memory_space<vmem>> -> memref<16384xf32, #tpu.memory_space<vmem>>
    tpu.enqueue_dma source(%dma_start3A_384 : memref<16384xf32, #tpu.memory_space<vmem>>) target(%dma_start3A_381 : memref<16384xf32, #tpu.memory_space<hbm>>) target_semaphore(%arg4 : memref<!tpu.dma_semaphore, #tpu.memory_space<semaphore_mem>>)
    %dma_start3A_385 = arith.constant 37 : i32
    %dma_start3A_386 = arith.constant 0 : i32
    %dma_start3A_387 = tpu.memref_slice %arg3[%get3A_74, %dma_start3A_386] : memref<4096x16384xf32, #tpu.memory_space<hbm>> -> memref<1x16384xf32, #tpu.memory_space<hbm>>
    %dma_start3A_388 = tpu.memref_squeeze %dma_start3A_387 : memref<1x16384xf32, #tpu.memory_space<hbm>> -> memref<16384xf32, #tpu.memory_space<hbm>>
    %dma_start3A_389 = arith.constant 0 : i32
    %dma_start3A_390 = tpu.memref_slice %arg2[%dma_start3A_385, %dma_start3A_389] : memref<64x16384xf32, #tpu.memory_space<vmem>> -> memref<1x16384xf32, #tpu.memory_space<vmem>>
    %dma_start3A_391 = tpu.memref_squeeze %dma_start3A_390 : memref<1x16384xf32, #tpu.memory_space<vmem>> -> memref<16384xf32, #tpu.memory_space<vmem>>
    tpu.enqueue_dma source(%dma_start3A_391 : memref<16384xf32, #tpu.memory_space<vmem>>) target(%dma_start3A_388 : memref<16384xf32, #tpu.memory_space<hbm>>) target_semaphore(%arg4 : memref<!tpu.dma_semaphore, #tpu.memory_space<semaphore_mem>>)
    %dma_start3A_392 = arith.constant 38 : i32
    %dma_start3A_393 = arith.constant 0 : i32
    %dma_start3A_394 = tpu.memref_slice %arg3[%get3A_76, %dma_start3A_393] : memref<4096x16384xf32, #tpu.memory_space<hbm>> -> memref<1x16384xf32, #tpu.memory_space<hbm>>
    %dma_start3A_395 = tpu.memref_squeeze %dma_start3A_394 : memref<1x16384xf32, #tpu.memory_space<hbm>> -> memref<16384xf32, #tpu.memory_space<hbm>>
    %dma_start3A_396 = arith.constant 0 : i32
    %dma_start3A_397 = tpu.memref_slice %arg2[%dma_start3A_392, %dma_start3A_396] : memref<64x16384xf32, #tpu.memory_space<vmem>> -> memref<1x16384xf32, #tpu.memory_space<vmem>>
    %dma_start3A_398 = tpu.memref_squeeze %dma_start3A_397 : memref<1x16384xf32, #tpu.memory_space<vmem>> -> memref<16384xf32, #tpu.memory_space<vmem>>
    tpu.enqueue_dma source(%dma_start3A_398 : memref<16384xf32, #tpu.memory_space<vmem>>) target(%dma_start3A_395 : memref<16384xf32, #tpu.memory_space<hbm>>) target_semaphore(%arg4 : memref<!tpu.dma_semaphore, #tpu.memory_space<semaphore_mem>>)
    %dma_start3A_399 = arith.constant 39 : i32
    %dma_start3A_400 = arith.constant 0 : i32
    %dma_start3A_401 = tpu.memref_slice %arg3[%get3A_78, %dma_start3A_400] : memref<4096x16384xf32, #tpu.memory_space<hbm>> -> memref<1x16384xf32, #tpu.memory_space<hbm>>
    %dma_start3A_402 = tpu.memref_squeeze %dma_start3A_401 : memref<1x16384xf32, #tpu.memory_space<hbm>> -> memref<16384xf32, #tpu.memory_space<hbm>>
    %dma_start3A_403 = arith.constant 0 : i32
    %dma_start3A_404 = tpu.memref_slice %arg2[%dma_start3A_399, %dma_start3A_403] : memref<64x16384xf32, #tpu.memory_space<vmem>> -> memref<1x16384xf32, #tpu.memory_space<vmem>>
    %dma_start3A_405 = tpu.memref_squeeze %dma_start3A_404 : memref<1x16384xf32, #tpu.memory_space<vmem>> -> memref<16384xf32, #tpu.memory_space<vmem>>
    tpu.enqueue_dma source(%dma_start3A_405 : memref<16384xf32, #tpu.memory_space<vmem>>) target(%dma_start3A_402 : memref<16384xf32, #tpu.memory_space<hbm>>) target_semaphore(%arg4 : memref<!tpu.dma_semaphore, #tpu.memory_space<semaphore_mem>>)
    %dma_start3A_406 = arith.constant 40 : i32
    %dma_start3A_407 = arith.constant 0 : i32
    %dma_start3A_408 = tpu.memref_slice %arg3[%get3A_80, %dma_start3A_407] : memref<4096x16384xf32, #tpu.memory_space<hbm>> -> memref<1x16384xf32, #tpu.memory_space<hbm>>
    %dma_start3A_409 = tpu.memref_squeeze %dma_start3A_408 : memref<1x16384xf32, #tpu.memory_space<hbm>> -> memref<16384xf32, #tpu.memory_space<hbm>>
    %dma_start3A_410 = arith.constant 0 : i32
    %dma_start3A_411 = tpu.memref_slice %arg2[%dma_start3A_406, %dma_start3A_410] : memref<64x16384xf32, #tpu.memory_space<vmem>> -> memref<1x16384xf32, #tpu.memory_space<vmem>>
    %dma_start3A_412 = tpu.memref_squeeze %dma_start3A_411 : memref<1x16384xf32, #tpu.memory_space<vmem>> -> memref<16384xf32, #tpu.memory_space<vmem>>
    tpu.enqueue_dma source(%dma_start3A_412 : memref<16384xf32, #tpu.memory_space<vmem>>) target(%dma_start3A_409 : memref<16384xf32, #tpu.memory_space<hbm>>) target_semaphore(%arg4 : memref<!tpu.dma_semaphore, #tpu.memory_space<semaphore_mem>>)
    %dma_start3A_413 = arith.constant 41 : i32
    %dma_start3A_414 = arith.constant 0 : i32
    %dma_start3A_415 = tpu.memref_slice %arg3[%get3A_82, %dma_start3A_414] : memref<4096x16384xf32, #tpu.memory_space<hbm>> -> memref<1x16384xf32, #tpu.memory_space<hbm>>
    %dma_start3A_416 = tpu.memref_squeeze %dma_start3A_415 : memref<1x16384xf32, #tpu.memory_space<hbm>> -> memref<16384xf32, #tpu.memory_space<hbm>>
    %dma_start3A_417 = arith.constant 0 : i32
    %dma_start3A_418 = tpu.memref_slice %arg2[%dma_start3A_413, %dma_start3A_417] : memref<64x16384xf32, #tpu.memory_space<vmem>> -> memref<1x16384xf32, #tpu.memory_space<vmem>>
    %dma_start3A_419 = tpu.memref_squeeze %dma_start3A_418 : memref<1x16384xf32, #tpu.memory_space<vmem>> -> memref<16384xf32, #tpu.memory_space<vmem>>
    tpu.enqueue_dma source(%dma_start3A_419 : memref<16384xf32, #tpu.memory_space<vmem>>) target(%dma_start3A_416 : memref<16384xf32, #tpu.memory_space<hbm>>) target_semaphore(%arg4 : memref<!tpu.dma_semaphore, #tpu.memory_space<semaphore_mem>>)
    %dma_start3A_420 = arith.constant 42 : i32
    %dma_start3A_421 = arith.constant 0 : i32
    %dma_start3A_422 = tpu.memref_slice %arg3[%get3A_84, %dma_start3A_421] : memref<4096x16384xf32, #tpu.memory_space<hbm>> -> memref<1x16384xf32, #tpu.memory_space<hbm>>
    %dma_start3A_423 = tpu.memref_squeeze %dma_start3A_422 : memref<1x16384xf32, #tpu.memory_space<hbm>> -> memref<16384xf32, #tpu.memory_space<hbm>>
    %dma_start3A_424 = arith.constant 0 : i32
    %dma_start3A_425 = tpu.memref_slice %arg2[%dma_start3A_420, %dma_start3A_424] : memref<64x16384xf32, #tpu.memory_space<vmem>> -> memref<1x16384xf32, #tpu.memory_space<vmem>>
    %dma_start3A_426 = tpu.memref_squeeze %dma_start3A_425 : memref<1x16384xf32, #tpu.memory_space<vmem>> -> memref<16384xf32, #tpu.memory_space<vmem>>
    tpu.enqueue_dma source(%dma_start3A_426 : memref<16384xf32, #tpu.memory_space<vmem>>) target(%dma_start3A_423 : memref<16384xf32, #tpu.memory_space<hbm>>) target_semaphore(%arg4 : memref<!tpu.dma_semaphore, #tpu.memory_space<semaphore_mem>>)
    %dma_start3A_427 = arith.constant 43 : i32
    %dma_start3A_428 = arith.constant 0 : i32
    %dma_start3A_429 = tpu.memref_slice %arg3[%get3A_86, %dma_start3A_428] : memref<4096x16384xf32, #tpu.memory_space<hbm>> -> memref<1x16384xf32, #tpu.memory_space<hbm>>
    %dma_start3A_430 = tpu.memref_squeeze %dma_start3A_429 : memref<1x16384xf32, #tpu.memory_space<hbm>> -> memref<16384xf32, #tpu.memory_space<hbm>>
    %dma_start3A_431 = arith.constant 0 : i32
    %dma_start3A_432 = tpu.memref_slice %arg2[%dma_start3A_427, %dma_start3A_431] : memref<64x16384xf32, #tpu.memory_space<vmem>> -> memref<1x16384xf32, #tpu.memory_space<vmem>>
    %dma_start3A_433 = tpu.memref_squeeze %dma_start3A_432 : memref<1x16384xf32, #tpu.memory_space<vmem>> -> memref<16384xf32, #tpu.memory_space<vmem>>
    tpu.enqueue_dma source(%dma_start3A_433 : memref<16384xf32, #tpu.memory_space<vmem>>) target(%dma_start3A_430 : memref<16384xf32, #tpu.memory_space<hbm>>) target_semaphore(%arg4 : memref<!tpu.dma_semaphore, #tpu.memory_space<semaphore_mem>>)
    %dma_start3A_434 = arith.constant 44 : i32
    %dma_start3A_435 = arith.constant 0 : i32
    %dma_start3A_436 = tpu.memref_slice %arg3[%get3A_88, %dma_start3A_435] : memref<4096x16384xf32, #tpu.memory_space<hbm>> -> memref<1x16384xf32, #tpu.memory_space<hbm>>
    %dma_start3A_437 = tpu.memref_squeeze %dma_start3A_436 : memref<1x16384xf32, #tpu.memory_space<hbm>> -> memref<16384xf32, #tpu.memory_space<hbm>>
    %dma_start3A_438 = arith.constant 0 : i32
    %dma_start3A_439 = tpu.memref_slice %arg2[%dma_start3A_434, %dma_start3A_438] : memref<64x16384xf32, #tpu.memory_space<vmem>> -> memref<1x16384xf32, #tpu.memory_space<vmem>>
    %dma_start3A_440 = tpu.memref_squeeze %dma_start3A_439 : memref<1x16384xf32, #tpu.memory_space<vmem>> -> memref<16384xf32, #tpu.memory_space<vmem>>
    tpu.enqueue_dma source(%dma_start3A_440 : memref<16384xf32, #tpu.memory_space<vmem>>) target(%dma_start3A_437 : memref<16384xf32, #tpu.memory_space<hbm>>) target_semaphore(%arg4 : memref<!tpu.dma_semaphore, #tpu.memory_space<semaphore_mem>>)
    %dma_start3A_441 = arith.constant 45 : i32
    %dma_start3A_442 = arith.constant 0 : i32
    %dma_start3A_443 = tpu.memref_slice %arg3[%get3A_90, %dma_start3A_442] : memref<4096x16384xf32, #tpu.memory_space<hbm>> -> memref<1x16384xf32, #tpu.memory_space<hbm>>
    %dma_start3A_444 = tpu.memref_squeeze %dma_start3A_443 : memref<1x16384xf32, #tpu.memory_space<hbm>> -> memref<16384xf32, #tpu.memory_space<hbm>>
    %dma_start3A_445 = arith.constant 0 : i32
    %dma_start3A_446 = tpu.memref_slice %arg2[%dma_start3A_441, %dma_start3A_445] : memref<64x16384xf32, #tpu.memory_space<vmem>> -> memref<1x16384xf32, #tpu.memory_space<vmem>>
    %dma_start3A_447 = tpu.memref_squeeze %dma_start3A_446 : memref<1x16384xf32, #tpu.memory_space<vmem>> -> memref<16384xf32, #tpu.memory_space<vmem>>
    tpu.enqueue_dma source(%dma_start3A_447 : memref<16384xf32, #tpu.memory_space<vmem>>) target(%dma_start3A_444 : memref<16384xf32, #tpu.memory_space<hbm>>) target_semaphore(%arg4 : memref<!tpu.dma_semaphore, #tpu.memory_space<semaphore_mem>>)
    %dma_start3A_448 = arith.constant 46 : i32
    %dma_start3A_449 = arith.constant 0 : i32
    %dma_start3A_450 = tpu.memref_slice %arg3[%get3A_92, %dma_start3A_449] : memref<4096x16384xf32, #tpu.memory_space<hbm>> -> memref<1x16384xf32, #tpu.memory_space<hbm>>
    %dma_start3A_451 = tpu.memref_squeeze %dma_start3A_450 : memref<1x16384xf32, #tpu.memory_space<hbm>> -> memref<16384xf32, #tpu.memory_space<hbm>>
    %dma_start3A_452 = arith.constant 0 : i32
    %dma_start3A_453 = tpu.memref_slice %arg2[%dma_start3A_448, %dma_start3A_452] : memref<64x16384xf32, #tpu.memory_space<vmem>> -> memref<1x16384xf32, #tpu.memory_space<vmem>>
    %dma_start3A_454 = tpu.memref_squeeze %dma_start3A_453 : memref<1x16384xf32, #tpu.memory_space<vmem>> -> memref<16384xf32, #tpu.memory_space<vmem>>
    tpu.enqueue_dma source(%dma_start3A_454 : memref<16384xf32, #tpu.memory_space<vmem>>) target(%dma_start3A_451 : memref<16384xf32, #tpu.memory_space<hbm>>) target_semaphore(%arg4 : memref<!tpu.dma_semaphore, #tpu.memory_space<semaphore_mem>>)
    %dma_start3A_455 = arith.constant 47 : i32
    %dma_start3A_456 = arith.constant 0 : i32
    %dma_start3A_457 = tpu.memref_slice %arg3[%get3A_94, %dma_start3A_456] : memref<4096x16384xf32, #tpu.memory_space<hbm>> -> memref<1x16384xf32, #tpu.memory_space<hbm>>
    %dma_start3A_458 = tpu.memref_squeeze %dma_start3A_457 : memref<1x16384xf32, #tpu.memory_space<hbm>> -> memref<16384xf32, #tpu.memory_space<hbm>>
    %dma_start3A_459 = arith.constant 0 : i32
    %dma_start3A_460 = tpu.memref_slice %arg2[%dma_start3A_455, %dma_start3A_459] : memref<64x16384xf32, #tpu.memory_space<vmem>> -> memref<1x16384xf32, #tpu.memory_space<vmem>>
    %dma_start3A_461 = tpu.memref_squeeze %dma_start3A_460 : memref<1x16384xf32, #tpu.memory_space<vmem>> -> memref<16384xf32, #tpu.memory_space<vmem>>
    tpu.enqueue_dma source(%dma_start3A_461 : memref<16384xf32, #tpu.memory_space<vmem>>) target(%dma_start3A_458 : memref<16384xf32, #tpu.memory_space<hbm>>) target_semaphore(%arg4 : memref<!tpu.dma_semaphore, #tpu.memory_space<semaphore_mem>>)
    %dma_start3A_462 = arith.constant 48 : i32
    %dma_start3A_463 = arith.constant 0 : i32
    %dma_start3A_464 = tpu.memref_slice %arg3[%get3A_96, %dma_start3A_463] : memref<4096x16384xf32, #tpu.memory_space<hbm>> -> memref<1x16384xf32, #tpu.memory_space<hbm>>
    %dma_start3A_465 = tpu.memref_squeeze %dma_start3A_464 : memref<1x16384xf32, #tpu.memory_space<hbm>> -> memref<16384xf32, #tpu.memory_space<hbm>>
    %dma_start3A_466 = arith.constant 0 : i32
    %dma_start3A_467 = tpu.memref_slice %arg2[%dma_start3A_462, %dma_start3A_466] : memref<64x16384xf32, #tpu.memory_space<vmem>> -> memref<1x16384xf32, #tpu.memory_space<vmem>>
    %dma_start3A_468 = tpu.memref_squeeze %dma_start3A_467 : memref<1x16384xf32, #tpu.memory_space<vmem>> -> memref<16384xf32, #tpu.memory_space<vmem>>
    tpu.enqueue_dma source(%dma_start3A_468 : memref<16384xf32, #tpu.memory_space<vmem>>) target(%dma_start3A_465 : memref<16384xf32, #tpu.memory_space<hbm>>) target_semaphore(%arg4 : memref<!tpu.dma_semaphore, #tpu.memory_space<semaphore_mem>>)
    %dma_start3A_469 = arith.constant 49 : i32
    %dma_start3A_470 = arith.constant 0 : i32
    %dma_start3A_471 = tpu.memref_slice %arg3[%get3A_98, %dma_start3A_470] : memref<4096x16384xf32, #tpu.memory_space<hbm>> -> memref<1x16384xf32, #tpu.memory_space<hbm>>
    %dma_start3A_472 = tpu.memref_squeeze %dma_start3A_471 : memref<1x16384xf32, #tpu.memory_space<hbm>> -> memref<16384xf32, #tpu.memory_space<hbm>>
    %dma_start3A_473 = arith.constant 0 : i32
    %dma_start3A_474 = tpu.memref_slice %arg2[%dma_start3A_469, %dma_start3A_473] : memref<64x16384xf32, #tpu.memory_space<vmem>> -> memref<1x16384xf32, #tpu.memory_space<vmem>>
    %dma_start3A_475 = tpu.memref_squeeze %dma_start3A_474 : memref<1x16384xf32, #tpu.memory_space<vmem>> -> memref<16384xf32, #tpu.memory_space<vmem>>
    tpu.enqueue_dma source(%dma_start3A_475 : memref<16384xf32, #tpu.memory_space<vmem>>) target(%dma_start3A_472 : memref<16384xf32, #tpu.memory_space<hbm>>) target_semaphore(%arg4 : memref<!tpu.dma_semaphore, #tpu.memory_space<semaphore_mem>>)
    %dma_start3A_476 = arith.constant 50 : i32
    %dma_start3A_477 = arith.constant 0 : i32
    %dma_start3A_478 = tpu.memref_slice %arg3[%get3A_100, %dma_start3A_477] : memref<4096x16384xf32, #tpu.memory_space<hbm>> -> memref<1x16384xf32, #tpu.memory_space<hbm>>
    %dma_start3A_479 = tpu.memref_squeeze %dma_start3A_478 : memref<1x16384xf32, #tpu.memory_space<hbm>> -> memref<16384xf32, #tpu.memory_space<hbm>>
    %dma_start3A_480 = arith.constant 0 : i32
    %dma_start3A_481 = tpu.memref_slice %arg2[%dma_start3A_476, %dma_start3A_480] : memref<64x16384xf32, #tpu.memory_space<vmem>> -> memref<1x16384xf32, #tpu.memory_space<vmem>>
    %dma_start3A_482 = tpu.memref_squeeze %dma_start3A_481 : memref<1x16384xf32, #tpu.memory_space<vmem>> -> memref<16384xf32, #tpu.memory_space<vmem>>
    tpu.enqueue_dma source(%dma_start3A_482 : memref<16384xf32, #tpu.memory_space<vmem>>) target(%dma_start3A_479 : memref<16384xf32, #tpu.memory_space<hbm>>) target_semaphore(%arg4 : memref<!tpu.dma_semaphore, #tpu.memory_space<semaphore_mem>>)
    %dma_start3A_483 = arith.constant 51 : i32
    %dma_start3A_484 = arith.constant 0 : i32
    %dma_start3A_485 = tpu.memref_slice %arg3[%get3A_102, %dma_start3A_484] : memref<4096x16384xf32, #tpu.memory_space<hbm>> -> memref<1x16384xf32, #tpu.memory_space<hbm>>
    %dma_start3A_486 = tpu.memref_squeeze %dma_start3A_485 : memref<1x16384xf32, #tpu.memory_space<hbm>> -> memref<16384xf32, #tpu.memory_space<hbm>>
    %dma_start3A_487 = arith.constant 0 : i32
    %dma_start3A_488 = tpu.memref_slice %arg2[%dma_start3A_483, %dma_start3A_487] : memref<64x16384xf32, #tpu.memory_space<vmem>> -> memref<1x16384xf32, #tpu.memory_space<vmem>>
    %dma_start3A_489 = tpu.memref_squeeze %dma_start3A_488 : memref<1x16384xf32, #tpu.memory_space<vmem>> -> memref<16384xf32, #tpu.memory_space<vmem>>
    tpu.enqueue_dma source(%dma_start3A_489 : memref<16384xf32, #tpu.memory_space<vmem>>) target(%dma_start3A_486 : memref<16384xf32, #tpu.memory_space<hbm>>) target_semaphore(%arg4 : memref<!tpu.dma_semaphore, #tpu.memory_space<semaphore_mem>>)
    %dma_start3A_490 = arith.constant 52 : i32
    %dma_start3A_491 = arith.constant 0 : i32
    %dma_start3A_492 = tpu.memref_slice %arg3[%get3A_104, %dma_start3A_491] : memref<4096x16384xf32, #tpu.memory_space<hbm>> -> memref<1x16384xf32, #tpu.memory_space<hbm>>
    %dma_start3A_493 = tpu.memref_squeeze %dma_start3A_492 : memref<1x16384xf32, #tpu.memory_space<hbm>> -> memref<16384xf32, #tpu.memory_space<hbm>>
    %dma_start3A_494 = arith.constant 0 : i32
    %dma_start3A_495 = tpu.memref_slice %arg2[%dma_start3A_490, %dma_start3A_494] : memref<64x16384xf32, #tpu.memory_space<vmem>> -> memref<1x16384xf32, #tpu.memory_space<vmem>>
    %dma_start3A_496 = tpu.memref_squeeze %dma_start3A_495 : memref<1x16384xf32, #tpu.memory_space<vmem>> -> memref<16384xf32, #tpu.memory_space<vmem>>
    tpu.enqueue_dma source(%dma_start3A_496 : memref<16384xf32, #tpu.memory_space<vmem>>) target(%dma_start3A_493 : memref<16384xf32, #tpu.memory_space<hbm>>) target_semaphore(%arg4 : memref<!tpu.dma_semaphore, #tpu.memory_space<semaphore_mem>>)
    %dma_start3A_497 = arith.constant 53 : i32
    %dma_start3A_498 = arith.constant 0 : i32
    %dma_start3A_499 = tpu.memref_slice %arg3[%get3A_106, %dma_start3A_498] : memref<4096x16384xf32, #tpu.memory_space<hbm>> -> memref<1x16384xf32, #tpu.memory_space<hbm>>
    %dma_start3A_500 = tpu.memref_squeeze %dma_start3A_499 : memref<1x16384xf32, #tpu.memory_space<hbm>> -> memref<16384xf32, #tpu.memory_space<hbm>>
    %dma_start3A_501 = arith.constant 0 : i32
    %dma_start3A_502 = tpu.memref_slice %arg2[%dma_start3A_497, %dma_start3A_501] : memref<64x16384xf32, #tpu.memory_space<vmem>> -> memref<1x16384xf32, #tpu.memory_space<vmem>>
    %dma_start3A_503 = tpu.memref_squeeze %dma_start3A_502 : memref<1x16384xf32, #tpu.memory_space<vmem>> -> memref<16384xf32, #tpu.memory_space<vmem>>
    tpu.enqueue_dma source(%dma_start3A_503 : memref<16384xf32, #tpu.memory_space<vmem>>) target(%dma_start3A_500 : memref<16384xf32, #tpu.memory_space<hbm>>) target_semaphore(%arg4 : memref<!tpu.dma_semaphore, #tpu.memory_space<semaphore_mem>>)
    %dma_start3A_504 = arith.constant 54 : i32
    %dma_start3A_505 = arith.constant 0 : i32
    %dma_start3A_506 = tpu.memref_slice %arg3[%get3A_108, %dma_start3A_505] : memref<4096x16384xf32, #tpu.memory_space<hbm>> -> memref<1x16384xf32, #tpu.memory_space<hbm>>
    %dma_start3A_507 = tpu.memref_squeeze %dma_start3A_506 : memref<1x16384xf32, #tpu.memory_space<hbm>> -> memref<16384xf32, #tpu.memory_space<hbm>>
    %dma_start3A_508 = arith.constant 0 : i32
    %dma_start3A_509 = tpu.memref_slice %arg2[%dma_start3A_504, %dma_start3A_508] : memref<64x16384xf32, #tpu.memory_space<vmem>> -> memref<1x16384xf32, #tpu.memory_space<vmem>>
    %dma_start3A_510 = tpu.memref_squeeze %dma_start3A_509 : memref<1x16384xf32, #tpu.memory_space<vmem>> -> memref<16384xf32, #tpu.memory_space<vmem>>
    tpu.enqueue_dma source(%dma_start3A_510 : memref<16384xf32, #tpu.memory_space<vmem>>) target(%dma_start3A_507 : memref<16384xf32, #tpu.memory_space<hbm>>) target_semaphore(%arg4 : memref<!tpu.dma_semaphore, #tpu.memory_space<semaphore_mem>>)
    %dma_start3A_511 = arith.constant 55 : i32
    %dma_start3A_512 = arith.constant 0 : i32
    %dma_start3A_513 = tpu.memref_slice %arg3[%get3A_110, %dma_start3A_512] : memref<4096x16384xf32, #tpu.memory_space<hbm>> -> memref<1x16384xf32, #tpu.memory_space<hbm>>
    %dma_start3A_514 = tpu.memref_squeeze %dma_start3A_513 : memref<1x16384xf32, #tpu.memory_space<hbm>> -> memref<16384xf32, #tpu.memory_space<hbm>>
    %dma_start3A_515 = arith.constant 0 : i32
    %dma_start3A_516 = tpu.memref_slice %arg2[%dma_start3A_511, %dma_start3A_515] : memref<64x16384xf32, #tpu.memory_space<vmem>> -> memref<1x16384xf32, #tpu.memory_space<vmem>>
    %dma_start3A_517 = tpu.memref_squeeze %dma_start3A_516 : memref<1x16384xf32, #tpu.memory_space<vmem>> -> memref<16384xf32, #tpu.memory_space<vmem>>
    tpu.enqueue_dma source(%dma_start3A_517 : memref<16384xf32, #tpu.memory_space<vmem>>) target(%dma_start3A_514 : memref<16384xf32, #tpu.memory_space<hbm>>) target_semaphore(%arg4 : memref<!tpu.dma_semaphore, #tpu.memory_space<semaphore_mem>>)
    %dma_start3A_518 = arith.constant 56 : i32
    %dma_start3A_519 = arith.constant 0 : i32
    %dma_start3A_520 = tpu.memref_slice %arg3[%get3A_112, %dma_start3A_519] : memref<4096x16384xf32, #tpu.memory_space<hbm>> -> memref<1x16384xf32, #tpu.memory_space<hbm>>
    %dma_start3A_521 = tpu.memref_squeeze %dma_start3A_520 : memref<1x16384xf32, #tpu.memory_space<hbm>> -> memref<16384xf32, #tpu.memory_space<hbm>>
    %dma_start3A_522 = arith.constant 0 : i32
    %dma_start3A_523 = tpu.memref_slice %arg2[%dma_start3A_518, %dma_start3A_522] : memref<64x16384xf32, #tpu.memory_space<vmem>> -> memref<1x16384xf32, #tpu.memory_space<vmem>>
    %dma_start3A_524 = tpu.memref_squeeze %dma_start3A_523 : memref<1x16384xf32, #tpu.memory_space<vmem>> -> memref<16384xf32, #tpu.memory_space<vmem>>
    tpu.enqueue_dma source(%dma_start3A_524 : memref<16384xf32, #tpu.memory_space<vmem>>) target(%dma_start3A_521 : memref<16384xf32, #tpu.memory_space<hbm>>) target_semaphore(%arg4 : memref<!tpu.dma_semaphore, #tpu.memory_space<semaphore_mem>>)
    %dma_start3A_525 = arith.constant 57 : i32
    %dma_start3A_526 = arith.constant 0 : i32
    %dma_start3A_527 = tpu.memref_slice %arg3[%get3A_114, %dma_start3A_526] : memref<4096x16384xf32, #tpu.memory_space<hbm>> -> memref<1x16384xf32, #tpu.memory_space<hbm>>
    %dma_start3A_528 = tpu.memref_squeeze %dma_start3A_527 : memref<1x16384xf32, #tpu.memory_space<hbm>> -> memref<16384xf32, #tpu.memory_space<hbm>>
    %dma_start3A_529 = arith.constant 0 : i32
    %dma_start3A_530 = tpu.memref_slice %arg2[%dma_start3A_525, %dma_start3A_529] : memref<64x16384xf32, #tpu.memory_space<vmem>> -> memref<1x16384xf32, #tpu.memory_space<vmem>>
    %dma_start3A_531 = tpu.memref_squeeze %dma_start3A_530 : memref<1x16384xf32, #tpu.memory_space<vmem>> -> memref<16384xf32, #tpu.memory_space<vmem>>
    tpu.enqueue_dma source(%dma_start3A_531 : memref<16384xf32, #tpu.memory_space<vmem>>) target(%dma_start3A_528 : memref<16384xf32, #tpu.memory_space<hbm>>) target_semaphore(%arg4 : memref<!tpu.dma_semaphore, #tpu.memory_space<semaphore_mem>>)
    %dma_start3A_532 = arith.constant 58 : i32
    %dma_start3A_533 = arith.constant 0 : i32
    %dma_start3A_534 = tpu.memref_slice %arg3[%get3A_116, %dma_start3A_533] : memref<4096x16384xf32, #tpu.memory_space<hbm>> -> memref<1x16384xf32, #tpu.memory_space<hbm>>
    %dma_start3A_535 = tpu.memref_squeeze %dma_start3A_534 : memref<1x16384xf32, #tpu.memory_space<hbm>> -> memref<16384xf32, #tpu.memory_space<hbm>>
    %dma_start3A_536 = arith.constant 0 : i32
    %dma_start3A_537 = tpu.memref_slice %arg2[%dma_start3A_532, %dma_start3A_536] : memref<64x16384xf32, #tpu.memory_space<vmem>> -> memref<1x16384xf32, #tpu.memory_space<vmem>>
    %dma_start3A_538 = tpu.memref_squeeze %dma_start3A_537 : memref<1x16384xf32, #tpu.memory_space<vmem>> -> memref<16384xf32, #tpu.memory_space<vmem>>
    tpu.enqueue_dma source(%dma_start3A_538 : memref<16384xf32, #tpu.memory_space<vmem>>) target(%dma_start3A_535 : memref<16384xf32, #tpu.memory_space<hbm>>) target_semaphore(%arg4 : memref<!tpu.dma_semaphore, #tpu.memory_space<semaphore_mem>>)
    %dma_start3A_539 = arith.constant 59 : i32
    %dma_start3A_540 = arith.constant 0 : i32
    %dma_start3A_541 = tpu.memref_slice %arg3[%get3A_118, %dma_start3A_540] : memref<4096x16384xf32, #tpu.memory_space<hbm>> -> memref<1x16384xf32, #tpu.memory_space<hbm>>
    %dma_start3A_542 = tpu.memref_squeeze %dma_start3A_541 : memref<1x16384xf32, #tpu.memory_space<hbm>> -> memref<16384xf32, #tpu.memory_space<hbm>>
    %dma_start3A_543 = arith.constant 0 : i32
    %dma_start3A_544 = tpu.memref_slice %arg2[%dma_start3A_539, %dma_start3A_543] : memref<64x16384xf32, #tpu.memory_space<vmem>> -> memref<1x16384xf32, #tpu.memory_space<vmem>>
    %dma_start3A_545 = tpu.memref_squeeze %dma_start3A_544 : memref<1x16384xf32, #tpu.memory_space<vmem>> -> memref<16384xf32, #tpu.memory_space<vmem>>
    tpu.enqueue_dma source(%dma_start3A_545 : memref<16384xf32, #tpu.memory_space<vmem>>) target(%dma_start3A_542 : memref<16384xf32, #tpu.memory_space<hbm>>) target_semaphore(%arg4 : memref<!tpu.dma_semaphore, #tpu.memory_space<semaphore_mem>>)
    %dma_start3A_546 = arith.constant 60 : i32
    %dma_start3A_547 = arith.constant 0 : i32
    %dma_start3A_548 = tpu.memref_slice %arg3[%get3A_120, %dma_start3A_547] : memref<4096x16384xf32, #tpu.memory_space<hbm>> -> memref<1x16384xf32, #tpu.memory_space<hbm>>
    %dma_start3A_549 = tpu.memref_squeeze %dma_start3A_548 : memref<1x16384xf32, #tpu.memory_space<hbm>> -> memref<16384xf32, #tpu.memory_space<hbm>>
    %dma_start3A_550 = arith.constant 0 : i32
    %dma_start3A_551 = tpu.memref_slice %arg2[%dma_start3A_546, %dma_start3A_550] : memref<64x16384xf32, #tpu.memory_space<vmem>> -> memref<1x16384xf32, #tpu.memory_space<vmem>>
    %dma_start3A_552 = tpu.memref_squeeze %dma_start3A_551 : memref<1x16384xf32, #tpu.memory_space<vmem>> -> memref<16384xf32, #tpu.memory_space<vmem>>
    tpu.enqueue_dma source(%dma_start3A_552 : memref<16384xf32, #tpu.memory_space<vmem>>) target(%dma_start3A_549 : memref<16384xf32, #tpu.memory_space<hbm>>) target_semaphore(%arg4 : memref<!tpu.dma_semaphore, #tpu.memory_space<semaphore_mem>>)
    %dma_start3A_553 = arith.constant 61 : i32
    %dma_start3A_554 = arith.constant 0 : i32
    %dma_start3A_555 = tpu.memref_slice %arg3[%get3A_122, %dma_start3A_554] : memref<4096x16384xf32, #tpu.memory_space<hbm>> -> memref<1x16384xf32, #tpu.memory_space<hbm>>
    %dma_start3A_556 = tpu.memref_squeeze %dma_start3A_555 : memref<1x16384xf32, #tpu.memory_space<hbm>> -> memref<16384xf32, #tpu.memory_space<hbm>>
    %dma_start3A_557 = arith.constant 0 : i32
    %dma_start3A_558 = tpu.memref_slice %arg2[%dma_start3A_553, %dma_start3A_557] : memref<64x16384xf32, #tpu.memory_space<vmem>> -> memref<1x16384xf32, #tpu.memory_space<vmem>>
    %dma_start3A_559 = tpu.memref_squeeze %dma_start3A_558 : memref<1x16384xf32, #tpu.memory_space<vmem>> -> memref<16384xf32, #tpu.memory_space<vmem>>
    tpu.enqueue_dma source(%dma_start3A_559 : memref<16384xf32, #tpu.memory_space<vmem>>) target(%dma_start3A_556 : memref<16384xf32, #tpu.memory_space<hbm>>) target_semaphore(%arg4 : memref<!tpu.dma_semaphore, #tpu.memory_space<semaphore_mem>>)
    %dma_start3A_560 = arith.constant 62 : i32
    %dma_start3A_561 = arith.constant 0 : i32
    %dma_start3A_562 = tpu.memref_slice %arg3[%get3A_124, %dma_start3A_561] : memref<4096x16384xf32, #tpu.memory_space<hbm>> -> memref<1x16384xf32, #tpu.memory_space<hbm>>
    %dma_start3A_563 = tpu.memref_squeeze %dma_start3A_562 : memref<1x16384xf32, #tpu.memory_space<hbm>> -> memref<16384xf32, #tpu.memory_space<hbm>>
    %dma_start3A_564 = arith.constant 0 : i32
    %dma_start3A_565 = tpu.memref_slice %arg2[%dma_start3A_560, %dma_start3A_564] : memref<64x16384xf32, #tpu.memory_space<vmem>> -> memref<1x16384xf32, #tpu.memory_space<vmem>>
    %dma_start3A_566 = tpu.memref_squeeze %dma_start3A_565 : memref<1x16384xf32, #tpu.memory_space<vmem>> -> memref<16384xf32, #tpu.memory_space<vmem>>
    tpu.enqueue_dma source(%dma_start3A_566 : memref<16384xf32, #tpu.memory_space<vmem>>) target(%dma_start3A_563 : memref<16384xf32, #tpu.memory_space<hbm>>) target_semaphore(%arg4 : memref<!tpu.dma_semaphore, #tpu.memory_space<semaphore_mem>>)
    %dma_start3A_567 = arith.constant 63 : i32
    %dma_start3A_568 = arith.constant 0 : i32
    %dma_start3A_569 = tpu.memref_slice %arg3[%get3A_126, %dma_start3A_568] : memref<4096x16384xf32, #tpu.memory_space<hbm>> -> memref<1x16384xf32, #tpu.memory_space<hbm>>
    %dma_start3A_570 = tpu.memref_squeeze %dma_start3A_569 : memref<1x16384xf32, #tpu.memory_space<hbm>> -> memref<16384xf32, #tpu.memory_space<hbm>>
    %dma_start3A_571 = arith.constant 0 : i32
    %dma_start3A_572 = tpu.memref_slice %arg2[%dma_start3A_567, %dma_start3A_571] : memref<64x16384xf32, #tpu.memory_space<vmem>> -> memref<1x16384xf32, #tpu.memory_space<vmem>>
    %dma_start3A_573 = tpu.memref_squeeze %dma_start3A_572 : memref<1x16384xf32, #tpu.memory_space<vmem>> -> memref<16384xf32, #tpu.memory_space<vmem>>
    tpu.enqueue_dma source(%dma_start3A_573 : memref<16384xf32, #tpu.memory_space<vmem>>) target(%dma_start3A_570 : memref<16384xf32, #tpu.memory_space<hbm>>) target_semaphore(%arg4 : memref<!tpu.dma_semaphore, #tpu.memory_space<semaphore_mem>>)
    %dma_wait3A = arith.constant 0 : i32
    %dma_wait3A_574 = arith.constant 0 : i32
    %dma_wait3A_575 = tpu.memref_slice %arg3[%get3A_0, %dma_wait3A_574] : memref<4096x16384xf32, #tpu.memory_space<hbm>> -> memref<1x16384xf32, #tpu.memory_space<hbm>>
    %dma_wait3A_576 = tpu.memref_squeeze %dma_wait3A_575 : memref<1x16384xf32, #tpu.memory_space<hbm>> -> memref<16384xf32, #tpu.memory_space<hbm>>
    %dma_wait3A_577 = arith.constant 0 : i32
    %dma_wait3A_578 = tpu.memref_slice %arg2[%dma_wait3A, %dma_wait3A_577] : memref<64x16384xf32, #tpu.memory_space<vmem>> -> memref<1x16384xf32, #tpu.memory_space<vmem>>
    %dma_wait3A_579 = tpu.memref_squeeze %dma_wait3A_578 : memref<1x16384xf32, #tpu.memory_space<vmem>> -> memref<16384xf32, #tpu.memory_space<vmem>>
    tpu.wait_dma2 semaphore(%arg4 : memref<!tpu.dma_semaphore, #tpu.memory_space<semaphore_mem>>) src(%dma_wait3A_579 : memref<16384xf32, #tpu.memory_space<vmem>>) dst(%dma_wait3A_576 : memref<16384xf32, #tpu.memory_space<hbm>>)
    %dma_wait3A_580 = arith.constant 1 : i32
    %dma_wait3A_581 = arith.constant 0 : i32
    %dma_wait3A_582 = tpu.memref_slice %arg3[%get3A_2, %dma_wait3A_581] : memref<4096x16384xf32, #tpu.memory_space<hbm>> -> memref<1x16384xf32, #tpu.memory_space<hbm>>
    %dma_wait3A_583 = tpu.memref_squeeze %dma_wait3A_582 : memref<1x16384xf32, #tpu.memory_space<hbm>> -> memref<16384xf32, #tpu.memory_space<hbm>>
    %dma_wait3A_584 = arith.constant 0 : i32
    %dma_wait3A_585 = tpu.memref_slice %arg2[%dma_wait3A_580, %dma_wait3A_584] : memref<64x16384xf32, #tpu.memory_space<vmem>> -> memref<1x16384xf32, #tpu.memory_space<vmem>>
    %dma_wait3A_586 = tpu.memref_squeeze %dma_wait3A_585 : memref<1x16384xf32, #tpu.memory_space<vmem>> -> memref<16384xf32, #tpu.memory_space<vmem>>
    tpu.wait_dma2 semaphore(%arg4 : memref<!tpu.dma_semaphore, #tpu.memory_space<semaphore_mem>>) src(%dma_wait3A_586 : memref<16384xf32, #tpu.memory_space<vmem>>) dst(%dma_wait3A_583 : memref<16384xf32, #tpu.memory_space<hbm>>)
    %dma_wait3A_587 = arith.constant 2 : i32
    %dma_wait3A_588 = arith.constant 0 : i32
    %dma_wait3A_589 = tpu.memref_slice %arg3[%get3A_4, %dma_wait3A_588] : memref<4096x16384xf32, #tpu.memory_space<hbm>> -> memref<1x16384xf32, #tpu.memory_space<hbm>>
    %dma_wait3A_590 = tpu.memref_squeeze %dma_wait3A_589 : memref<1x16384xf32, #tpu.memory_space<hbm>> -> memref<16384xf32, #tpu.memory_space<hbm>>
    %dma_wait3A_591 = arith.constant 0 : i32
    %dma_wait3A_592 = tpu.memref_slice %arg2[%dma_wait3A_587, %dma_wait3A_591] : memref<64x16384xf32, #tpu.memory_space<vmem>> -> memref<1x16384xf32, #tpu.memory_space<vmem>>
    %dma_wait3A_593 = tpu.memref_squeeze %dma_wait3A_592 : memref<1x16384xf32, #tpu.memory_space<vmem>> -> memref<16384xf32, #tpu.memory_space<vmem>>
    tpu.wait_dma2 semaphore(%arg4 : memref<!tpu.dma_semaphore, #tpu.memory_space<semaphore_mem>>) src(%dma_wait3A_593 : memref<16384xf32, #tpu.memory_space<vmem>>) dst(%dma_wait3A_590 : memref<16384xf32, #tpu.memory_space<hbm>>)
    %dma_wait3A_594 = arith.constant 3 : i32
    %dma_wait3A_595 = arith.constant 0 : i32
    %dma_wait3A_596 = tpu.memref_slice %arg3[%get3A_6, %dma_wait3A_595] : memref<4096x16384xf32, #tpu.memory_space<hbm>> -> memref<1x16384xf32, #tpu.memory_space<hbm>>
    %dma_wait3A_597 = tpu.memref_squeeze %dma_wait3A_596 : memref<1x16384xf32, #tpu.memory_space<hbm>> -> memref<16384xf32, #tpu.memory_space<hbm>>
    %dma_wait3A_598 = arith.constant 0 : i32
    %dma_wait3A_599 = tpu.memref_slice %arg2[%dma_wait3A_594, %dma_wait3A_598] : memref<64x16384xf32, #tpu.memory_space<vmem>> -> memref<1x16384xf32, #tpu.memory_space<vmem>>
    %dma_wait3A_600 = tpu.memref_squeeze %dma_wait3A_599 : memref<1x16384xf32, #tpu.memory_space<vmem>> -> memref<16384xf32, #tpu.memory_space<vmem>>
    tpu.wait_dma2 semaphore(%arg4 : memref<!tpu.dma_semaphore, #tpu.memory_space<semaphore_mem>>) src(%dma_wait3A_600 : memref<16384xf32, #tpu.memory_space<vmem>>) dst(%dma_wait3A_597 : memref<16384xf32, #tpu.memory_space<hbm>>)
    %dma_wait3A_601 = arith.constant 4 : i32
    %dma_wait3A_602 = arith.constant 0 : i32
    %dma_wait3A_603 = tpu.memref_slice %arg3[%get3A_8, %dma_wait3A_602] : memref<4096x16384xf32, #tpu.memory_space<hbm>> -> memref<1x16384xf32, #tpu.memory_space<hbm>>
    %dma_wait3A_604 = tpu.memref_squeeze %dma_wait3A_603 : memref<1x16384xf32, #tpu.memory_space<hbm>> -> memref<16384xf32, #tpu.memory_space<hbm>>
    %dma_wait3A_605 = arith.constant 0 : i32
    %dma_wait3A_606 = tpu.memref_slice %arg2[%dma_wait3A_601, %dma_wait3A_605] : memref<64x16384xf32, #tpu.memory_space<vmem>> -> memref<1x16384xf32, #tpu.memory_space<vmem>>
    %dma_wait3A_607 = tpu.memref_squeeze %dma_wait3A_606 : memref<1x16384xf32, #tpu.memory_space<vmem>> -> memref<16384xf32, #tpu.memory_space<vmem>>
    tpu.wait_dma2 semaphore(%arg4 : memref<!tpu.dma_semaphore, #tpu.memory_space<semaphore_mem>>) src(%dma_wait3A_607 : memref<16384xf32, #tpu.memory_space<vmem>>) dst(%dma_wait3A_604 : memref<16384xf32, #tpu.memory_space<hbm>>)
    %dma_wait3A_608 = arith.constant 5 : i32
    %dma_wait3A_609 = arith.constant 0 : i32
    %dma_wait3A_610 = tpu.memref_slice %arg3[%get3A_10, %dma_wait3A_609] : memref<4096x16384xf32, #tpu.memory_space<hbm>> -> memref<1x16384xf32, #tpu.memory_space<hbm>>
    %dma_wait3A_611 = tpu.memref_squeeze %dma_wait3A_610 : memref<1x16384xf32, #tpu.memory_space<hbm>> -> memref<16384xf32, #tpu.memory_space<hbm>>
    %dma_wait3A_612 = arith.constant 0 : i32
    %dma_wait3A_613 = tpu.memref_slice %arg2[%dma_wait3A_608, %dma_wait3A_612] : memref<64x16384xf32, #tpu.memory_space<vmem>> -> memref<1x16384xf32, #tpu.memory_space<vmem>>
    %dma_wait3A_614 = tpu.memref_squeeze %dma_wait3A_613 : memref<1x16384xf32, #tpu.memory_space<vmem>> -> memref<16384xf32, #tpu.memory_space<vmem>>
    tpu.wait_dma2 semaphore(%arg4 : memref<!tpu.dma_semaphore, #tpu.memory_space<semaphore_mem>>) src(%dma_wait3A_614 : memref<16384xf32, #tpu.memory_space<vmem>>) dst(%dma_wait3A_611 : memref<16384xf32, #tpu.memory_space<hbm>>)
    %dma_wait3A_615 = arith.constant 6 : i32
    %dma_wait3A_616 = arith.constant 0 : i32
    %dma_wait3A_617 = tpu.memref_slice %arg3[%get3A_12, %dma_wait3A_616] : memref<4096x16384xf32, #tpu.memory_space<hbm>> -> memref<1x16384xf32, #tpu.memory_space<hbm>>
    %dma_wait3A_618 = tpu.memref_squeeze %dma_wait3A_617 : memref<1x16384xf32, #tpu.memory_space<hbm>> -> memref<16384xf32, #tpu.memory_space<hbm>>
    %dma_wait3A_619 = arith.constant 0 : i32
    %dma_wait3A_620 = tpu.memref_slice %arg2[%dma_wait3A_615, %dma_wait3A_619] : memref<64x16384xf32, #tpu.memory_space<vmem>> -> memref<1x16384xf32, #tpu.memory_space<vmem>>
    %dma_wait3A_621 = tpu.memref_squeeze %dma_wait3A_620 : memref<1x16384xf32, #tpu.memory_space<vmem>> -> memref<16384xf32, #tpu.memory_space<vmem>>
    tpu.wait_dma2 semaphore(%arg4 : memref<!tpu.dma_semaphore, #tpu.memory_space<semaphore_mem>>) src(%dma_wait3A_621 : memref<16384xf32, #tpu.memory_space<vmem>>) dst(%dma_wait3A_618 : memref<16384xf32, #tpu.memory_space<hbm>>)
    %dma_wait3A_622 = arith.constant 7 : i32
    %dma_wait3A_623 = arith.constant 0 : i32
    %dma_wait3A_624 = tpu.memref_slice %arg3[%get3A_14, %dma_wait3A_623] : memref<4096x16384xf32, #tpu.memory_space<hbm>> -> memref<1x16384xf32, #tpu.memory_space<hbm>>
    %dma_wait3A_625 = tpu.memref_squeeze %dma_wait3A_624 : memref<1x16384xf32, #tpu.memory_space<hbm>> -> memref<16384xf32, #tpu.memory_space<hbm>>
    %dma_wait3A_626 = arith.constant 0 : i32
    %dma_wait3A_627 = tpu.memref_slice %arg2[%dma_wait3A_622, %dma_wait3A_626] : memref<64x16384xf32, #tpu.memory_space<vmem>> -> memref<1x16384xf32, #tpu.memory_space<vmem>>
    %dma_wait3A_628 = tpu.memref_squeeze %dma_wait3A_627 : memref<1x16384xf32, #tpu.memory_space<vmem>> -> memref<16384xf32, #tpu.memory_space<vmem>>
    tpu.wait_dma2 semaphore(%arg4 : memref<!tpu.dma_semaphore, #tpu.memory_space<semaphore_mem>>) src(%dma_wait3A_628 : memref<16384xf32, #tpu.memory_space<vmem>>) dst(%dma_wait3A_625 : memref<16384xf32, #tpu.memory_space<hbm>>)
    %dma_wait3A_629 = arith.constant 8 : i32
    %dma_wait3A_630 = arith.constant 0 : i32
    %dma_wait3A_631 = tpu.memref_slice %arg3[%get3A_16, %dma_wait3A_630] : memref<4096x16384xf32, #tpu.memory_space<hbm>> -> memref<1x16384xf32, #tpu.memory_space<hbm>>
    %dma_wait3A_632 = tpu.memref_squeeze %dma_wait3A_631 : memref<1x16384xf32, #tpu.memory_space<hbm>> -> memref<16384xf32, #tpu.memory_space<hbm>>
    %dma_wait3A_633 = arith.constant 0 : i32
    %dma_wait3A_634 = tpu.memref_slice %arg2[%dma_wait3A_629, %dma_wait3A_633] : memref<64x16384xf32, #tpu.memory_space<vmem>> -> memref<1x16384xf32, #tpu.memory_space<vmem>>
    %dma_wait3A_635 = tpu.memref_squeeze %dma_wait3A_634 : memref<1x16384xf32, #tpu.memory_space<vmem>> -> memref<16384xf32, #tpu.memory_space<vmem>>
    tpu.wait_dma2 semaphore(%arg4 : memref<!tpu.dma_semaphore, #tpu.memory_space<semaphore_mem>>) src(%dma_wait3A_635 : memref<16384xf32, #tpu.memory_space<vmem>>) dst(%dma_wait3A_632 : memref<16384xf32, #tpu.memory_space<hbm>>)
    %dma_wait3A_636 = arith.constant 9 : i32
    %dma_wait3A_637 = arith.constant 0 : i32
    %dma_wait3A_638 = tpu.memref_slice %arg3[%get3A_18, %dma_wait3A_637] : memref<4096x16384xf32, #tpu.memory_space<hbm>> -> memref<1x16384xf32, #tpu.memory_space<hbm>>
    %dma_wait3A_639 = tpu.memref_squeeze %dma_wait3A_638 : memref<1x16384xf32, #tpu.memory_space<hbm>> -> memref<16384xf32, #tpu.memory_space<hbm>>
    %dma_wait3A_640 = arith.constant 0 : i32
    %dma_wait3A_641 = tpu.memref_slice %arg2[%dma_wait3A_636, %dma_wait3A_640] : memref<64x16384xf32, #tpu.memory_space<vmem>> -> memref<1x16384xf32, #tpu.memory_space<vmem>>
    %dma_wait3A_642 = tpu.memref_squeeze %dma_wait3A_641 : memref<1x16384xf32, #tpu.memory_space<vmem>> -> memref<16384xf32, #tpu.memory_space<vmem>>
    tpu.wait_dma2 semaphore(%arg4 : memref<!tpu.dma_semaphore, #tpu.memory_space<semaphore_mem>>) src(%dma_wait3A_642 : memref<16384xf32, #tpu.memory_space<vmem>>) dst(%dma_wait3A_639 : memref<16384xf32, #tpu.memory_space<hbm>>)
    %dma_wait3A_643 = arith.constant 10 : i32
    %dma_wait3A_644 = arith.constant 0 : i32
    %dma_wait3A_645 = tpu.memref_slice %arg3[%get3A_20, %dma_wait3A_644] : memref<4096x16384xf32, #tpu.memory_space<hbm>> -> memref<1x16384xf32, #tpu.memory_space<hbm>>
    %dma_wait3A_646 = tpu.memref_squeeze %dma_wait3A_645 : memref<1x16384xf32, #tpu.memory_space<hbm>> -> memref<16384xf32, #tpu.memory_space<hbm>>
    %dma_wait3A_647 = arith.constant 0 : i32
    %dma_wait3A_648 = tpu.memref_slice %arg2[%dma_wait3A_643, %dma_wait3A_647] : memref<64x16384xf32, #tpu.memory_space<vmem>> -> memref<1x16384xf32, #tpu.memory_space<vmem>>
    %dma_wait3A_649 = tpu.memref_squeeze %dma_wait3A_648 : memref<1x16384xf32, #tpu.memory_space<vmem>> -> memref<16384xf32, #tpu.memory_space<vmem>>
    tpu.wait_dma2 semaphore(%arg4 : memref<!tpu.dma_semaphore, #tpu.memory_space<semaphore_mem>>) src(%dma_wait3A_649 : memref<16384xf32, #tpu.memory_space<vmem>>) dst(%dma_wait3A_646 : memref<16384xf32, #tpu.memory_space<hbm>>)
    %dma_wait3A_650 = arith.constant 11 : i32
    %dma_wait3A_651 = arith.constant 0 : i32
    %dma_wait3A_652 = tpu.memref_slice %arg3[%get3A_22, %dma_wait3A_651] : memref<4096x16384xf32, #tpu.memory_space<hbm>> -> memref<1x16384xf32, #tpu.memory_space<hbm>>
    %dma_wait3A_653 = tpu.memref_squeeze %dma_wait3A_652 : memref<1x16384xf32, #tpu.memory_space<hbm>> -> memref<16384xf32, #tpu.memory_space<hbm>>
    %dma_wait3A_654 = arith.constant 0 : i32
    %dma_wait3A_655 = tpu.memref_slice %arg2[%dma_wait3A_650, %dma_wait3A_654] : memref<64x16384xf32, #tpu.memory_space<vmem>> -> memref<1x16384xf32, #tpu.memory_space<vmem>>
    %dma_wait3A_656 = tpu.memref_squeeze %dma_wait3A_655 : memref<1x16384xf32, #tpu.memory_space<vmem>> -> memref<16384xf32, #tpu.memory_space<vmem>>
    tpu.wait_dma2 semaphore(%arg4 : memref<!tpu.dma_semaphore, #tpu.memory_space<semaphore_mem>>) src(%dma_wait3A_656 : memref<16384xf32, #tpu.memory_space<vmem>>) dst(%dma_wait3A_653 : memref<16384xf32, #tpu.memory_space<hbm>>)
    %dma_wait3A_657 = arith.constant 12 : i32
    %dma_wait3A_658 = arith.constant 0 : i32
    %dma_wait3A_659 = tpu.memref_slice %arg3[%get3A_24, %dma_wait3A_658] : memref<4096x16384xf32, #tpu.memory_space<hbm>> -> memref<1x16384xf32, #tpu.memory_space<hbm>>
    %dma_wait3A_660 = tpu.memref_squeeze %dma_wait3A_659 : memref<1x16384xf32, #tpu.memory_space<hbm>> -> memref<16384xf32, #tpu.memory_space<hbm>>
    %dma_wait3A_661 = arith.constant 0 : i32
    %dma_wait3A_662 = tpu.memref_slice %arg2[%dma_wait3A_657, %dma_wait3A_661] : memref<64x16384xf32, #tpu.memory_space<vmem>> -> memref<1x16384xf32, #tpu.memory_space<vmem>>
    %dma_wait3A_663 = tpu.memref_squeeze %dma_wait3A_662 : memref<1x16384xf32, #tpu.memory_space<vmem>> -> memref<16384xf32, #tpu.memory_space<vmem>>
    tpu.wait_dma2 semaphore(%arg4 : memref<!tpu.dma_semaphore, #tpu.memory_space<semaphore_mem>>) src(%dma_wait3A_663 : memref<16384xf32, #tpu.memory_space<vmem>>) dst(%dma_wait3A_660 : memref<16384xf32, #tpu.memory_space<hbm>>)
    %dma_wait3A_664 = arith.constant 13 : i32
    %dma_wait3A_665 = arith.constant 0 : i32
    %dma_wait3A_666 = tpu.memref_slice %arg3[%get3A_26, %dma_wait3A_665] : memref<4096x16384xf32, #tpu.memory_space<hbm>> -> memref<1x16384xf32, #tpu.memory_space<hbm>>
    %dma_wait3A_667 = tpu.memref_squeeze %dma_wait3A_666 : memref<1x16384xf32, #tpu.memory_space<hbm>> -> memref<16384xf32, #tpu.memory_space<hbm>>
    %dma_wait3A_668 = arith.constant 0 : i32
    %dma_wait3A_669 = tpu.memref_slice %arg2[%dma_wait3A_664, %dma_wait3A_668] : memref<64x16384xf32, #tpu.memory_space<vmem>> -> memref<1x16384xf32, #tpu.memory_space<vmem>>
    %dma_wait3A_670 = tpu.memref_squeeze %dma_wait3A_669 : memref<1x16384xf32, #tpu.memory_space<vmem>> -> memref<16384xf32, #tpu.memory_space<vmem>>
    tpu.wait_dma2 semaphore(%arg4 : memref<!tpu.dma_semaphore, #tpu.memory_space<semaphore_mem>>) src(%dma_wait3A_670 : memref<16384xf32, #tpu.memory_space<vmem>>) dst(%dma_wait3A_667 : memref<16384xf32, #tpu.memory_space<hbm>>)
    %dma_wait3A_671 = arith.constant 14 : i32
    %dma_wait3A_672 = arith.constant 0 : i32
    %dma_wait3A_673 = tpu.memref_slice %arg3[%get3A_28, %dma_wait3A_672] : memref<4096x16384xf32, #tpu.memory_space<hbm>> -> memref<1x16384xf32, #tpu.memory_space<hbm>>
    %dma_wait3A_674 = tpu.memref_squeeze %dma_wait3A_673 : memref<1x16384xf32, #tpu.memory_space<hbm>> -> memref<16384xf32, #tpu.memory_space<hbm>>
    %dma_wait3A_675 = arith.constant 0 : i32
    %dma_wait3A_676 = tpu.memref_slice %arg2[%dma_wait3A_671, %dma_wait3A_675] : memref<64x16384xf32, #tpu.memory_space<vmem>> -> memref<1x16384xf32, #tpu.memory_space<vmem>>
    %dma_wait3A_677 = tpu.memref_squeeze %dma_wait3A_676 : memref<1x16384xf32, #tpu.memory_space<vmem>> -> memref<16384xf32, #tpu.memory_space<vmem>>
    tpu.wait_dma2 semaphore(%arg4 : memref<!tpu.dma_semaphore, #tpu.memory_space<semaphore_mem>>) src(%dma_wait3A_677 : memref<16384xf32, #tpu.memory_space<vmem>>) dst(%dma_wait3A_674 : memref<16384xf32, #tpu.memory_space<hbm>>)
    %dma_wait3A_678 = arith.constant 15 : i32
    %dma_wait3A_679 = arith.constant 0 : i32
    %dma_wait3A_680 = tpu.memref_slice %arg3[%get3A_30, %dma_wait3A_679] : memref<4096x16384xf32, #tpu.memory_space<hbm>> -> memref<1x16384xf32, #tpu.memory_space<hbm>>
    %dma_wait3A_681 = tpu.memref_squeeze %dma_wait3A_680 : memref<1x16384xf32, #tpu.memory_space<hbm>> -> memref<16384xf32, #tpu.memory_space<hbm>>
    %dma_wait3A_682 = arith.constant 0 : i32
    %dma_wait3A_683 = tpu.memref_slice %arg2[%dma_wait3A_678, %dma_wait3A_682] : memref<64x16384xf32, #tpu.memory_space<vmem>> -> memref<1x16384xf32, #tpu.memory_space<vmem>>
    %dma_wait3A_684 = tpu.memref_squeeze %dma_wait3A_683 : memref<1x16384xf32, #tpu.memory_space<vmem>> -> memref<16384xf32, #tpu.memory_space<vmem>>
    tpu.wait_dma2 semaphore(%arg4 : memref<!tpu.dma_semaphore, #tpu.memory_space<semaphore_mem>>) src(%dma_wait3A_684 : memref<16384xf32, #tpu.memory_space<vmem>>) dst(%dma_wait3A_681 : memref<16384xf32, #tpu.memory_space<hbm>>)
    %dma_wait3A_685 = arith.constant 16 : i32
    %dma_wait3A_686 = arith.constant 0 : i32
    %dma_wait3A_687 = tpu.memref_slice %arg3[%get3A_32, %dma_wait3A_686] : memref<4096x16384xf32, #tpu.memory_space<hbm>> -> memref<1x16384xf32, #tpu.memory_space<hbm>>
    %dma_wait3A_688 = tpu.memref_squeeze %dma_wait3A_687 : memref<1x16384xf32, #tpu.memory_space<hbm>> -> memref<16384xf32, #tpu.memory_space<hbm>>
    %dma_wait3A_689 = arith.constant 0 : i32
    %dma_wait3A_690 = tpu.memref_slice %arg2[%dma_wait3A_685, %dma_wait3A_689] : memref<64x16384xf32, #tpu.memory_space<vmem>> -> memref<1x16384xf32, #tpu.memory_space<vmem>>
    %dma_wait3A_691 = tpu.memref_squeeze %dma_wait3A_690 : memref<1x16384xf32, #tpu.memory_space<vmem>> -> memref<16384xf32, #tpu.memory_space<vmem>>
    tpu.wait_dma2 semaphore(%arg4 : memref<!tpu.dma_semaphore, #tpu.memory_space<semaphore_mem>>) src(%dma_wait3A_691 : memref<16384xf32, #tpu.memory_space<vmem>>) dst(%dma_wait3A_688 : memref<16384xf32, #tpu.memory_space<hbm>>)
    %dma_wait3A_692 = arith.constant 17 : i32
    %dma_wait3A_693 = arith.constant 0 : i32
    %dma_wait3A_694 = tpu.memref_slice %arg3[%get3A_34, %dma_wait3A_693] : memref<4096x16384xf32, #tpu.memory_space<hbm>> -> memref<1x16384xf32, #tpu.memory_space<hbm>>
    %dma_wait3A_695 = tpu.memref_squeeze %dma_wait3A_694 : memref<1x16384xf32, #tpu.memory_space<hbm>> -> memref<16384xf32, #tpu.memory_space<hbm>>
    %dma_wait3A_696 = arith.constant 0 : i32
    %dma_wait3A_697 = tpu.memref_slice %arg2[%dma_wait3A_692, %dma_wait3A_696] : memref<64x16384xf32, #tpu.memory_space<vmem>> -> memref<1x16384xf32, #tpu.memory_space<vmem>>
    %dma_wait3A_698 = tpu.memref_squeeze %dma_wait3A_697 : memref<1x16384xf32, #tpu.memory_space<vmem>> -> memref<16384xf32, #tpu.memory_space<vmem>>
    tpu.wait_dma2 semaphore(%arg4 : memref<!tpu.dma_semaphore, #tpu.memory_space<semaphore_mem>>) src(%dma_wait3A_698 : memref<16384xf32, #tpu.memory_space<vmem>>) dst(%dma_wait3A_695 : memref<16384xf32, #tpu.memory_space<hbm>>)
    %dma_wait3A_699 = arith.constant 18 : i32
    %dma_wait3A_700 = arith.constant 0 : i32
    %dma_wait3A_701 = tpu.memref_slice %arg3[%get3A_36, %dma_wait3A_700] : memref<4096x16384xf32, #tpu.memory_space<hbm>> -> memref<1x16384xf32, #tpu.memory_space<hbm>>
    %dma_wait3A_702 = tpu.memref_squeeze %dma_wait3A_701 : memref<1x16384xf32, #tpu.memory_space<hbm>> -> memref<16384xf32, #tpu.memory_space<hbm>>
    %dma_wait3A_703 = arith.constant 0 : i32
    %dma_wait3A_704 = tpu.memref_slice %arg2[%dma_wait3A_699, %dma_wait3A_703] : memref<64x16384xf32, #tpu.memory_space<vmem>> -> memref<1x16384xf32, #tpu.memory_space<vmem>>
    %dma_wait3A_705 = tpu.memref_squeeze %dma_wait3A_704 : memref<1x16384xf32, #tpu.memory_space<vmem>> -> memref<16384xf32, #tpu.memory_space<vmem>>
    tpu.wait_dma2 semaphore(%arg4 : memref<!tpu.dma_semaphore, #tpu.memory_space<semaphore_mem>>) src(%dma_wait3A_705 : memref<16384xf32, #tpu.memory_space<vmem>>) dst(%dma_wait3A_702 : memref<16384xf32, #tpu.memory_space<hbm>>)
    %dma_wait3A_706 = arith.constant 19 : i32
    %dma_wait3A_707 = arith.constant 0 : i32
    %dma_wait3A_708 = tpu.memref_slice %arg3[%get3A_38, %dma_wait3A_707] : memref<4096x16384xf32, #tpu.memory_space<hbm>> -> memref<1x16384xf32, #tpu.memory_space<hbm>>
    %dma_wait3A_709 = tpu.memref_squeeze %dma_wait3A_708 : memref<1x16384xf32, #tpu.memory_space<hbm>> -> memref<16384xf32, #tpu.memory_space<hbm>>
    %dma_wait3A_710 = arith.constant 0 : i32
    %dma_wait3A_711 = tpu.memref_slice %arg2[%dma_wait3A_706, %dma_wait3A_710] : memref<64x16384xf32, #tpu.memory_space<vmem>> -> memref<1x16384xf32, #tpu.memory_space<vmem>>
    %dma_wait3A_712 = tpu.memref_squeeze %dma_wait3A_711 : memref<1x16384xf32, #tpu.memory_space<vmem>> -> memref<16384xf32, #tpu.memory_space<vmem>>
    tpu.wait_dma2 semaphore(%arg4 : memref<!tpu.dma_semaphore, #tpu.memory_space<semaphore_mem>>) src(%dma_wait3A_712 : memref<16384xf32, #tpu.memory_space<vmem>>) dst(%dma_wait3A_709 : memref<16384xf32, #tpu.memory_space<hbm>>)
    %dma_wait3A_713 = arith.constant 20 : i32
    %dma_wait3A_714 = arith.constant 0 : i32
    %dma_wait3A_715 = tpu.memref_slice %arg3[%get3A_40, %dma_wait3A_714] : memref<4096x16384xf32, #tpu.memory_space<hbm>> -> memref<1x16384xf32, #tpu.memory_space<hbm>>
    %dma_wait3A_716 = tpu.memref_squeeze %dma_wait3A_715 : memref<1x16384xf32, #tpu.memory_space<hbm>> -> memref<16384xf32, #tpu.memory_space<hbm>>
    %dma_wait3A_717 = arith.constant 0 : i32
    %dma_wait3A_718 = tpu.memref_slice %arg2[%dma_wait3A_713, %dma_wait3A_717] : memref<64x16384xf32, #tpu.memory_space<vmem>> -> memref<1x16384xf32, #tpu.memory_space<vmem>>
    %dma_wait3A_719 = tpu.memref_squeeze %dma_wait3A_718 : memref<1x16384xf32, #tpu.memory_space<vmem>> -> memref<16384xf32, #tpu.memory_space<vmem>>
    tpu.wait_dma2 semaphore(%arg4 : memref<!tpu.dma_semaphore, #tpu.memory_space<semaphore_mem>>) src(%dma_wait3A_719 : memref<16384xf32, #tpu.memory_space<vmem>>) dst(%dma_wait3A_716 : memref<16384xf32, #tpu.memory_space<hbm>>)
    %dma_wait3A_720 = arith.constant 21 : i32
    %dma_wait3A_721 = arith.constant 0 : i32
    %dma_wait3A_722 = tpu.memref_slice %arg3[%get3A_42, %dma_wait3A_721] : memref<4096x16384xf32, #tpu.memory_space<hbm>> -> memref<1x16384xf32, #tpu.memory_space<hbm>>
    %dma_wait3A_723 = tpu.memref_squeeze %dma_wait3A_722 : memref<1x16384xf32, #tpu.memory_space<hbm>> -> memref<16384xf32, #tpu.memory_space<hbm>>
    %dma_wait3A_724 = arith.constant 0 : i32
    %dma_wait3A_725 = tpu.memref_slice %arg2[%dma_wait3A_720, %dma_wait3A_724] : memref<64x16384xf32, #tpu.memory_space<vmem>> -> memref<1x16384xf32, #tpu.memory_space<vmem>>
    %dma_wait3A_726 = tpu.memref_squeeze %dma_wait3A_725 : memref<1x16384xf32, #tpu.memory_space<vmem>> -> memref<16384xf32, #tpu.memory_space<vmem>>
    tpu.wait_dma2 semaphore(%arg4 : memref<!tpu.dma_semaphore, #tpu.memory_space<semaphore_mem>>) src(%dma_wait3A_726 : memref<16384xf32, #tpu.memory_space<vmem>>) dst(%dma_wait3A_723 : memref<16384xf32, #tpu.memory_space<hbm>>)
    %dma_wait3A_727 = arith.constant 22 : i32
    %dma_wait3A_728 = arith.constant 0 : i32
    %dma_wait3A_729 = tpu.memref_slice %arg3[%get3A_44, %dma_wait3A_728] : memref<4096x16384xf32, #tpu.memory_space<hbm>> -> memref<1x16384xf32, #tpu.memory_space<hbm>>
    %dma_wait3A_730 = tpu.memref_squeeze %dma_wait3A_729 : memref<1x16384xf32, #tpu.memory_space<hbm>> -> memref<16384xf32, #tpu.memory_space<hbm>>
    %dma_wait3A_731 = arith.constant 0 : i32
    %dma_wait3A_732 = tpu.memref_slice %arg2[%dma_wait3A_727, %dma_wait3A_731] : memref<64x16384xf32, #tpu.memory_space<vmem>> -> memref<1x16384xf32, #tpu.memory_space<vmem>>
    %dma_wait3A_733 = tpu.memref_squeeze %dma_wait3A_732 : memref<1x16384xf32, #tpu.memory_space<vmem>> -> memref<16384xf32, #tpu.memory_space<vmem>>
    tpu.wait_dma2 semaphore(%arg4 : memref<!tpu.dma_semaphore, #tpu.memory_space<semaphore_mem>>) src(%dma_wait3A_733 : memref<16384xf32, #tpu.memory_space<vmem>>) dst(%dma_wait3A_730 : memref<16384xf32, #tpu.memory_space<hbm>>)
    %dma_wait3A_734 = arith.constant 23 : i32
    %dma_wait3A_735 = arith.constant 0 : i32
    %dma_wait3A_736 = tpu.memref_slice %arg3[%get3A_46, %dma_wait3A_735] : memref<4096x16384xf32, #tpu.memory_space<hbm>> -> memref<1x16384xf32, #tpu.memory_space<hbm>>
    %dma_wait3A_737 = tpu.memref_squeeze %dma_wait3A_736 : memref<1x16384xf32, #tpu.memory_space<hbm>> -> memref<16384xf32, #tpu.memory_space<hbm>>
    %dma_wait3A_738 = arith.constant 0 : i32
    %dma_wait3A_739 = tpu.memref_slice %arg2[%dma_wait3A_734, %dma_wait3A_738] : memref<64x16384xf32, #tpu.memory_space<vmem>> -> memref<1x16384xf32, #tpu.memory_space<vmem>>
    %dma_wait3A_740 = tpu.memref_squeeze %dma_wait3A_739 : memref<1x16384xf32, #tpu.memory_space<vmem>> -> memref<16384xf32, #tpu.memory_space<vmem>>
    tpu.wait_dma2 semaphore(%arg4 : memref<!tpu.dma_semaphore, #tpu.memory_space<semaphore_mem>>) src(%dma_wait3A_740 : memref<16384xf32, #tpu.memory_space<vmem>>) dst(%dma_wait3A_737 : memref<16384xf32, #tpu.memory_space<hbm>>)
    %dma_wait3A_741 = arith.constant 24 : i32
    %dma_wait3A_742 = arith.constant 0 : i32
    %dma_wait3A_743 = tpu.memref_slice %arg3[%get3A_48, %dma_wait3A_742] : memref<4096x16384xf32, #tpu.memory_space<hbm>> -> memref<1x16384xf32, #tpu.memory_space<hbm>>
    %dma_wait3A_744 = tpu.memref_squeeze %dma_wait3A_743 : memref<1x16384xf32, #tpu.memory_space<hbm>> -> memref<16384xf32, #tpu.memory_space<hbm>>
    %dma_wait3A_745 = arith.constant 0 : i32
    %dma_wait3A_746 = tpu.memref_slice %arg2[%dma_wait3A_741, %dma_wait3A_745] : memref<64x16384xf32, #tpu.memory_space<vmem>> -> memref<1x16384xf32, #tpu.memory_space<vmem>>
    %dma_wait3A_747 = tpu.memref_squeeze %dma_wait3A_746 : memref<1x16384xf32, #tpu.memory_space<vmem>> -> memref<16384xf32, #tpu.memory_space<vmem>>
    tpu.wait_dma2 semaphore(%arg4 : memref<!tpu.dma_semaphore, #tpu.memory_space<semaphore_mem>>) src(%dma_wait3A_747 : memref<16384xf32, #tpu.memory_space<vmem>>) dst(%dma_wait3A_744 : memref<16384xf32, #tpu.memory_space<hbm>>)
    %dma_wait3A_748 = arith.constant 25 : i32
    %dma_wait3A_749 = arith.constant 0 : i32
    %dma_wait3A_750 = tpu.memref_slice %arg3[%get3A_50, %dma_wait3A_749] : memref<4096x16384xf32, #tpu.memory_space<hbm>> -> memref<1x16384xf32, #tpu.memory_space<hbm>>
    %dma_wait3A_751 = tpu.memref_squeeze %dma_wait3A_750 : memref<1x16384xf32, #tpu.memory_space<hbm>> -> memref<16384xf32, #tpu.memory_space<hbm>>
    %dma_wait3A_752 = arith.constant 0 : i32
    %dma_wait3A_753 = tpu.memref_slice %arg2[%dma_wait3A_748, %dma_wait3A_752] : memref<64x16384xf32, #tpu.memory_space<vmem>> -> memref<1x16384xf32, #tpu.memory_space<vmem>>
    %dma_wait3A_754 = tpu.memref_squeeze %dma_wait3A_753 : memref<1x16384xf32, #tpu.memory_space<vmem>> -> memref<16384xf32, #tpu.memory_space<vmem>>
    tpu.wait_dma2 semaphore(%arg4 : memref<!tpu.dma_semaphore, #tpu.memory_space<semaphore_mem>>) src(%dma_wait3A_754 : memref<16384xf32, #tpu.memory_space<vmem>>) dst(%dma_wait3A_751 : memref<16384xf32, #tpu.memory_space<hbm>>)
    %dma_wait3A_755 = arith.constant 26 : i32
    %dma_wait3A_756 = arith.constant 0 : i32
    %dma_wait3A_757 = tpu.memref_slice %arg3[%get3A_52, %dma_wait3A_756] : memref<4096x16384xf32, #tpu.memory_space<hbm>> -> memref<1x16384xf32, #tpu.memory_space<hbm>>
    %dma_wait3A_758 = tpu.memref_squeeze %dma_wait3A_757 : memref<1x16384xf32, #tpu.memory_space<hbm>> -> memref<16384xf32, #tpu.memory_space<hbm>>
    %dma_wait3A_759 = arith.constant 0 : i32
    %dma_wait3A_760 = tpu.memref_slice %arg2[%dma_wait3A_755, %dma_wait3A_759] : memref<64x16384xf32, #tpu.memory_space<vmem>> -> memref<1x16384xf32, #tpu.memory_space<vmem>>
    %dma_wait3A_761 = tpu.memref_squeeze %dma_wait3A_760 : memref<1x16384xf32, #tpu.memory_space<vmem>> -> memref<16384xf32, #tpu.memory_space<vmem>>
    tpu.wait_dma2 semaphore(%arg4 : memref<!tpu.dma_semaphore, #tpu.memory_space<semaphore_mem>>) src(%dma_wait3A_761 : memref<16384xf32, #tpu.memory_space<vmem>>) dst(%dma_wait3A_758 : memref<16384xf32, #tpu.memory_space<hbm>>)
    %dma_wait3A_762 = arith.constant 27 : i32
    %dma_wait3A_763 = arith.constant 0 : i32
    %dma_wait3A_764 = tpu.memref_slice %arg3[%get3A_54, %dma_wait3A_763] : memref<4096x16384xf32, #tpu.memory_space<hbm>> -> memref<1x16384xf32, #tpu.memory_space<hbm>>
    %dma_wait3A_765 = tpu.memref_squeeze %dma_wait3A_764 : memref<1x16384xf32, #tpu.memory_space<hbm>> -> memref<16384xf32, #tpu.memory_space<hbm>>
    %dma_wait3A_766 = arith.constant 0 : i32
    %dma_wait3A_767 = tpu.memref_slice %arg2[%dma_wait3A_762, %dma_wait3A_766] : memref<64x16384xf32, #tpu.memory_space<vmem>> -> memref<1x16384xf32, #tpu.memory_space<vmem>>
    %dma_wait3A_768 = tpu.memref_squeeze %dma_wait3A_767 : memref<1x16384xf32, #tpu.memory_space<vmem>> -> memref<16384xf32, #tpu.memory_space<vmem>>
    tpu.wait_dma2 semaphore(%arg4 : memref<!tpu.dma_semaphore, #tpu.memory_space<semaphore_mem>>) src(%dma_wait3A_768 : memref<16384xf32, #tpu.memory_space<vmem>>) dst(%dma_wait3A_765 : memref<16384xf32, #tpu.memory_space<hbm>>)
    %dma_wait3A_769 = arith.constant 28 : i32
    %dma_wait3A_770 = arith.constant 0 : i32
    %dma_wait3A_771 = tpu.memref_slice %arg3[%get3A_56, %dma_wait3A_770] : memref<4096x16384xf32, #tpu.memory_space<hbm>> -> memref<1x16384xf32, #tpu.memory_space<hbm>>
    %dma_wait3A_772 = tpu.memref_squeeze %dma_wait3A_771 : memref<1x16384xf32, #tpu.memory_space<hbm>> -> memref<16384xf32, #tpu.memory_space<hbm>>
    %dma_wait3A_773 = arith.constant 0 : i32
    %dma_wait3A_774 = tpu.memref_slice %arg2[%dma_wait3A_769, %dma_wait3A_773] : memref<64x16384xf32, #tpu.memory_space<vmem>> -> memref<1x16384xf32, #tpu.memory_space<vmem>>
    %dma_wait3A_775 = tpu.memref_squeeze %dma_wait3A_774 : memref<1x16384xf32, #tpu.memory_space<vmem>> -> memref<16384xf32, #tpu.memory_space<vmem>>
    tpu.wait_dma2 semaphore(%arg4 : memref<!tpu.dma_semaphore, #tpu.memory_space<semaphore_mem>>) src(%dma_wait3A_775 : memref<16384xf32, #tpu.memory_space<vmem>>) dst(%dma_wait3A_772 : memref<16384xf32, #tpu.memory_space<hbm>>)
    %dma_wait3A_776 = arith.constant 29 : i32
    %dma_wait3A_777 = arith.constant 0 : i32
    %dma_wait3A_778 = tpu.memref_slice %arg3[%get3A_58, %dma_wait3A_777] : memref<4096x16384xf32, #tpu.memory_space<hbm>> -> memref<1x16384xf32, #tpu.memory_space<hbm>>
    %dma_wait3A_779 = tpu.memref_squeeze %dma_wait3A_778 : memref<1x16384xf32, #tpu.memory_space<hbm>> -> memref<16384xf32, #tpu.memory_space<hbm>>
    %dma_wait3A_780 = arith.constant 0 : i32
    %dma_wait3A_781 = tpu.memref_slice %arg2[%dma_wait3A_776, %dma_wait3A_780] : memref<64x16384xf32, #tpu.memory_space<vmem>> -> memref<1x16384xf32, #tpu.memory_space<vmem>>
    %dma_wait3A_782 = tpu.memref_squeeze %dma_wait3A_781 : memref<1x16384xf32, #tpu.memory_space<vmem>> -> memref<16384xf32, #tpu.memory_space<vmem>>
    tpu.wait_dma2 semaphore(%arg4 : memref<!tpu.dma_semaphore, #tpu.memory_space<semaphore_mem>>) src(%dma_wait3A_782 : memref<16384xf32, #tpu.memory_space<vmem>>) dst(%dma_wait3A_779 : memref<16384xf32, #tpu.memory_space<hbm>>)
    %dma_wait3A_783 = arith.constant 30 : i32
    %dma_wait3A_784 = arith.constant 0 : i32
    %dma_wait3A_785 = tpu.memref_slice %arg3[%get3A_60, %dma_wait3A_784] : memref<4096x16384xf32, #tpu.memory_space<hbm>> -> memref<1x16384xf32, #tpu.memory_space<hbm>>
    %dma_wait3A_786 = tpu.memref_squeeze %dma_wait3A_785 : memref<1x16384xf32, #tpu.memory_space<hbm>> -> memref<16384xf32, #tpu.memory_space<hbm>>
    %dma_wait3A_787 = arith.constant 0 : i32
    %dma_wait3A_788 = tpu.memref_slice %arg2[%dma_wait3A_783, %dma_wait3A_787] : memref<64x16384xf32, #tpu.memory_space<vmem>> -> memref<1x16384xf32, #tpu.memory_space<vmem>>
    %dma_wait3A_789 = tpu.memref_squeeze %dma_wait3A_788 : memref<1x16384xf32, #tpu.memory_space<vmem>> -> memref<16384xf32, #tpu.memory_space<vmem>>
    tpu.wait_dma2 semaphore(%arg4 : memref<!tpu.dma_semaphore, #tpu.memory_space<semaphore_mem>>) src(%dma_wait3A_789 : memref<16384xf32, #tpu.memory_space<vmem>>) dst(%dma_wait3A_786 : memref<16384xf32, #tpu.memory_space<hbm>>)
    %dma_wait3A_790 = arith.constant 31 : i32
    %dma_wait3A_791 = arith.constant 0 : i32
    %dma_wait3A_792 = tpu.memref_slice %arg3[%get3A_62, %dma_wait3A_791] : memref<4096x16384xf32, #tpu.memory_space<hbm>> -> memref<1x16384xf32, #tpu.memory_space<hbm>>
    %dma_wait3A_793 = tpu.memref_squeeze %dma_wait3A_792 : memref<1x16384xf32, #tpu.memory_space<hbm>> -> memref<16384xf32, #tpu.memory_space<hbm>>
    %dma_wait3A_794 = arith.constant 0 : i32
    %dma_wait3A_795 = tpu.memref_slice %arg2[%dma_wait3A_790, %dma_wait3A_794] : memref<64x16384xf32, #tpu.memory_space<vmem>> -> memref<1x16384xf32, #tpu.memory_space<vmem>>
    %dma_wait3A_796 = tpu.memref_squeeze %dma_wait3A_795 : memref<1x16384xf32, #tpu.memory_space<vmem>> -> memref<16384xf32, #tpu.memory_space<vmem>>
    tpu.wait_dma2 semaphore(%arg4 : memref<!tpu.dma_semaphore, #tpu.memory_space<semaphore_mem>>) src(%dma_wait3A_796 : memref<16384xf32, #tpu.memory_space<vmem>>) dst(%dma_wait3A_793 : memref<16384xf32, #tpu.memory_space<hbm>>)
    %dma_wait3A_797 = arith.constant 32 : i32
    %dma_wait3A_798 = arith.constant 0 : i32
    %dma_wait3A_799 = tpu.memref_slice %arg3[%get3A_64, %dma_wait3A_798] : memref<4096x16384xf32, #tpu.memory_space<hbm>> -> memref<1x16384xf32, #tpu.memory_space<hbm>>
    %dma_wait3A_800 = tpu.memref_squeeze %dma_wait3A_799 : memref<1x16384xf32, #tpu.memory_space<hbm>> -> memref<16384xf32, #tpu.memory_space<hbm>>
    %dma_wait3A_801 = arith.constant 0 : i32
    %dma_wait3A_802 = tpu.memref_slice %arg2[%dma_wait3A_797, %dma_wait3A_801] : memref<64x16384xf32, #tpu.memory_space<vmem>> -> memref<1x16384xf32, #tpu.memory_space<vmem>>
    %dma_wait3A_803 = tpu.memref_squeeze %dma_wait3A_802 : memref<1x16384xf32, #tpu.memory_space<vmem>> -> memref<16384xf32, #tpu.memory_space<vmem>>
    tpu.wait_dma2 semaphore(%arg4 : memref<!tpu.dma_semaphore, #tpu.memory_space<semaphore_mem>>) src(%dma_wait3A_803 : memref<16384xf32, #tpu.memory_space<vmem>>) dst(%dma_wait3A_800 : memref<16384xf32, #tpu.memory_space<hbm>>)
    %dma_wait3A_804 = arith.constant 33 : i32
    %dma_wait3A_805 = arith.constant 0 : i32
    %dma_wait3A_806 = tpu.memref_slice %arg3[%get3A_66, %dma_wait3A_805] : memref<4096x16384xf32, #tpu.memory_space<hbm>> -> memref<1x16384xf32, #tpu.memory_space<hbm>>
    %dma_wait3A_807 = tpu.memref_squeeze %dma_wait3A_806 : memref<1x16384xf32, #tpu.memory_space<hbm>> -> memref<16384xf32, #tpu.memory_space<hbm>>
    %dma_wait3A_808 = arith.constant 0 : i32
    %dma_wait3A_809 = tpu.memref_slice %arg2[%dma_wait3A_804, %dma_wait3A_808] : memref<64x16384xf32, #tpu.memory_space<vmem>> -> memref<1x16384xf32, #tpu.memory_space<vmem>>
    %dma_wait3A_810 = tpu.memref_squeeze %dma_wait3A_809 : memref<1x16384xf32, #tpu.memory_space<vmem>> -> memref<16384xf32, #tpu.memory_space<vmem>>
    tpu.wait_dma2 semaphore(%arg4 : memref<!tpu.dma_semaphore, #tpu.memory_space<semaphore_mem>>) src(%dma_wait3A_810 : memref<16384xf32, #tpu.memory_space<vmem>>) dst(%dma_wait3A_807 : memref<16384xf32, #tpu.memory_space<hbm>>)
    %dma_wait3A_811 = arith.constant 34 : i32
    %dma_wait3A_812 = arith.constant 0 : i32
    %dma_wait3A_813 = tpu.memref_slice %arg3[%get3A_68, %dma_wait3A_812] : memref<4096x16384xf32, #tpu.memory_space<hbm>> -> memref<1x16384xf32, #tpu.memory_space<hbm>>
    %dma_wait3A_814 = tpu.memref_squeeze %dma_wait3A_813 : memref<1x16384xf32, #tpu.memory_space<hbm>> -> memref<16384xf32, #tpu.memory_space<hbm>>
    %dma_wait3A_815 = arith.constant 0 : i32
    %dma_wait3A_816 = tpu.memref_slice %arg2[%dma_wait3A_811, %dma_wait3A_815] : memref<64x16384xf32, #tpu.memory_space<vmem>> -> memref<1x16384xf32, #tpu.memory_space<vmem>>
    %dma_wait3A_817 = tpu.memref_squeeze %dma_wait3A_816 : memref<1x16384xf32, #tpu.memory_space<vmem>> -> memref<16384xf32, #tpu.memory_space<vmem>>
    tpu.wait_dma2 semaphore(%arg4 : memref<!tpu.dma_semaphore, #tpu.memory_space<semaphore_mem>>) src(%dma_wait3A_817 : memref<16384xf32, #tpu.memory_space<vmem>>) dst(%dma_wait3A_814 : memref<16384xf32, #tpu.memory_space<hbm>>)
    %dma_wait3A_818 = arith.constant 35 : i32
    %dma_wait3A_819 = arith.constant 0 : i32
    %dma_wait3A_820 = tpu.memref_slice %arg3[%get3A_70, %dma_wait3A_819] : memref<4096x16384xf32, #tpu.memory_space<hbm>> -> memref<1x16384xf32, #tpu.memory_space<hbm>>
    %dma_wait3A_821 = tpu.memref_squeeze %dma_wait3A_820 : memref<1x16384xf32, #tpu.memory_space<hbm>> -> memref<16384xf32, #tpu.memory_space<hbm>>
    %dma_wait3A_822 = arith.constant 0 : i32
    %dma_wait3A_823 = tpu.memref_slice %arg2[%dma_wait3A_818, %dma_wait3A_822] : memref<64x16384xf32, #tpu.memory_space<vmem>> -> memref<1x16384xf32, #tpu.memory_space<vmem>>
    %dma_wait3A_824 = tpu.memref_squeeze %dma_wait3A_823 : memref<1x16384xf32, #tpu.memory_space<vmem>> -> memref<16384xf32, #tpu.memory_space<vmem>>
    tpu.wait_dma2 semaphore(%arg4 : memref<!tpu.dma_semaphore, #tpu.memory_space<semaphore_mem>>) src(%dma_wait3A_824 : memref<16384xf32, #tpu.memory_space<vmem>>) dst(%dma_wait3A_821 : memref<16384xf32, #tpu.memory_space<hbm>>)
    %dma_wait3A_825 = arith.constant 36 : i32
    %dma_wait3A_826 = arith.constant 0 : i32
    %dma_wait3A_827 = tpu.memref_slice %arg3[%get3A_72, %dma_wait3A_826] : memref<4096x16384xf32, #tpu.memory_space<hbm>> -> memref<1x16384xf32, #tpu.memory_space<hbm>>
    %dma_wait3A_828 = tpu.memref_squeeze %dma_wait3A_827 : memref<1x16384xf32, #tpu.memory_space<hbm>> -> memref<16384xf32, #tpu.memory_space<hbm>>
    %dma_wait3A_829 = arith.constant 0 : i32
    %dma_wait3A_830 = tpu.memref_slice %arg2[%dma_wait3A_825, %dma_wait3A_829] : memref<64x16384xf32, #tpu.memory_space<vmem>> -> memref<1x16384xf32, #tpu.memory_space<vmem>>
    %dma_wait3A_831 = tpu.memref_squeeze %dma_wait3A_830 : memref<1x16384xf32, #tpu.memory_space<vmem>> -> memref<16384xf32, #tpu.memory_space<vmem>>
    tpu.wait_dma2 semaphore(%arg4 : memref<!tpu.dma_semaphore, #tpu.memory_space<semaphore_mem>>) src(%dma_wait3A_831 : memref<16384xf32, #tpu.memory_space<vmem>>) dst(%dma_wait3A_828 : memref<16384xf32, #tpu.memory_space<hbm>>)
    %dma_wait3A_832 = arith.constant 37 : i32
    %dma_wait3A_833 = arith.constant 0 : i32
    %dma_wait3A_834 = tpu.memref_slice %arg3[%get3A_74, %dma_wait3A_833] : memref<4096x16384xf32, #tpu.memory_space<hbm>> -> memref<1x16384xf32, #tpu.memory_space<hbm>>
    %dma_wait3A_835 = tpu.memref_squeeze %dma_wait3A_834 : memref<1x16384xf32, #tpu.memory_space<hbm>> -> memref<16384xf32, #tpu.memory_space<hbm>>
    %dma_wait3A_836 = arith.constant 0 : i32
    %dma_wait3A_837 = tpu.memref_slice %arg2[%dma_wait3A_832, %dma_wait3A_836] : memref<64x16384xf32, #tpu.memory_space<vmem>> -> memref<1x16384xf32, #tpu.memory_space<vmem>>
    %dma_wait3A_838 = tpu.memref_squeeze %dma_wait3A_837 : memref<1x16384xf32, #tpu.memory_space<vmem>> -> memref<16384xf32, #tpu.memory_space<vmem>>
    tpu.wait_dma2 semaphore(%arg4 : memref<!tpu.dma_semaphore, #tpu.memory_space<semaphore_mem>>) src(%dma_wait3A_838 : memref<16384xf32, #tpu.memory_space<vmem>>) dst(%dma_wait3A_835 : memref<16384xf32, #tpu.memory_space<hbm>>)
    %dma_wait3A_839 = arith.constant 38 : i32
    %dma_wait3A_840 = arith.constant 0 : i32
    %dma_wait3A_841 = tpu.memref_slice %arg3[%get3A_76, %dma_wait3A_840] : memref<4096x16384xf32, #tpu.memory_space<hbm>> -> memref<1x16384xf32, #tpu.memory_space<hbm>>
    %dma_wait3A_842 = tpu.memref_squeeze %dma_wait3A_841 : memref<1x16384xf32, #tpu.memory_space<hbm>> -> memref<16384xf32, #tpu.memory_space<hbm>>
    %dma_wait3A_843 = arith.constant 0 : i32
    %dma_wait3A_844 = tpu.memref_slice %arg2[%dma_wait3A_839, %dma_wait3A_843] : memref<64x16384xf32, #tpu.memory_space<vmem>> -> memref<1x16384xf32, #tpu.memory_space<vmem>>
    %dma_wait3A_845 = tpu.memref_squeeze %dma_wait3A_844 : memref<1x16384xf32, #tpu.memory_space<vmem>> -> memref<16384xf32, #tpu.memory_space<vmem>>
    tpu.wait_dma2 semaphore(%arg4 : memref<!tpu.dma_semaphore, #tpu.memory_space<semaphore_mem>>) src(%dma_wait3A_845 : memref<16384xf32, #tpu.memory_space<vmem>>) dst(%dma_wait3A_842 : memref<16384xf32, #tpu.memory_space<hbm>>)
    %dma_wait3A_846 = arith.constant 39 : i32
    %dma_wait3A_847 = arith.constant 0 : i32
    %dma_wait3A_848 = tpu.memref_slice %arg3[%get3A_78, %dma_wait3A_847] : memref<4096x16384xf32, #tpu.memory_space<hbm>> -> memref<1x16384xf32, #tpu.memory_space<hbm>>
    %dma_wait3A_849 = tpu.memref_squeeze %dma_wait3A_848 : memref<1x16384xf32, #tpu.memory_space<hbm>> -> memref<16384xf32, #tpu.memory_space<hbm>>
    %dma_wait3A_850 = arith.constant 0 : i32
    %dma_wait3A_851 = tpu.memref_slice %arg2[%dma_wait3A_846, %dma_wait3A_850] : memref<64x16384xf32, #tpu.memory_space<vmem>> -> memref<1x16384xf32, #tpu.memory_space<vmem>>
    %dma_wait3A_852 = tpu.memref_squeeze %dma_wait3A_851 : memref<1x16384xf32, #tpu.memory_space<vmem>> -> memref<16384xf32, #tpu.memory_space<vmem>>
    tpu.wait_dma2 semaphore(%arg4 : memref<!tpu.dma_semaphore, #tpu.memory_space<semaphore_mem>>) src(%dma_wait3A_852 : memref<16384xf32, #tpu.memory_space<vmem>>) dst(%dma_wait3A_849 : memref<16384xf32, #tpu.memory_space<hbm>>)
    %dma_wait3A_853 = arith.constant 40 : i32
    %dma_wait3A_854 = arith.constant 0 : i32
    %dma_wait3A_855 = tpu.memref_slice %arg3[%get3A_80, %dma_wait3A_854] : memref<4096x16384xf32, #tpu.memory_space<hbm>> -> memref<1x16384xf32, #tpu.memory_space<hbm>>
    %dma_wait3A_856 = tpu.memref_squeeze %dma_wait3A_855 : memref<1x16384xf32, #tpu.memory_space<hbm>> -> memref<16384xf32, #tpu.memory_space<hbm>>
    %dma_wait3A_857 = arith.constant 0 : i32
    %dma_wait3A_858 = tpu.memref_slice %arg2[%dma_wait3A_853, %dma_wait3A_857] : memref<64x16384xf32, #tpu.memory_space<vmem>> -> memref<1x16384xf32, #tpu.memory_space<vmem>>
    %dma_wait3A_859 = tpu.memref_squeeze %dma_wait3A_858 : memref<1x16384xf32, #tpu.memory_space<vmem>> -> memref<16384xf32, #tpu.memory_space<vmem>>
    tpu.wait_dma2 semaphore(%arg4 : memref<!tpu.dma_semaphore, #tpu.memory_space<semaphore_mem>>) src(%dma_wait3A_859 : memref<16384xf32, #tpu.memory_space<vmem>>) dst(%dma_wait3A_856 : memref<16384xf32, #tpu.memory_space<hbm>>)
    %dma_wait3A_860 = arith.constant 41 : i32
    %dma_wait3A_861 = arith.constant 0 : i32
    %dma_wait3A_862 = tpu.memref_slice %arg3[%get3A_82, %dma_wait3A_861] : memref<4096x16384xf32, #tpu.memory_space<hbm>> -> memref<1x16384xf32, #tpu.memory_space<hbm>>
    %dma_wait3A_863 = tpu.memref_squeeze %dma_wait3A_862 : memref<1x16384xf32, #tpu.memory_space<hbm>> -> memref<16384xf32, #tpu.memory_space<hbm>>
    %dma_wait3A_864 = arith.constant 0 : i32
    %dma_wait3A_865 = tpu.memref_slice %arg2[%dma_wait3A_860, %dma_wait3A_864] : memref<64x16384xf32, #tpu.memory_space<vmem>> -> memref<1x16384xf32, #tpu.memory_space<vmem>>
    %dma_wait3A_866 = tpu.memref_squeeze %dma_wait3A_865 : memref<1x16384xf32, #tpu.memory_space<vmem>> -> memref<16384xf32, #tpu.memory_space<vmem>>
    tpu.wait_dma2 semaphore(%arg4 : memref<!tpu.dma_semaphore, #tpu.memory_space<semaphore_mem>>) src(%dma_wait3A_866 : memref<16384xf32, #tpu.memory_space<vmem>>) dst(%dma_wait3A_863 : memref<16384xf32, #tpu.memory_space<hbm>>)
    %dma_wait3A_867 = arith.constant 42 : i32
    %dma_wait3A_868 = arith.constant 0 : i32
    %dma_wait3A_869 = tpu.memref_slice %arg3[%get3A_84, %dma_wait3A_868] : memref<4096x16384xf32, #tpu.memory_space<hbm>> -> memref<1x16384xf32, #tpu.memory_space<hbm>>
    %dma_wait3A_870 = tpu.memref_squeeze %dma_wait3A_869 : memref<1x16384xf32, #tpu.memory_space<hbm>> -> memref<16384xf32, #tpu.memory_space<hbm>>
    %dma_wait3A_871 = arith.constant 0 : i32
    %dma_wait3A_872 = tpu.memref_slice %arg2[%dma_wait3A_867, %dma_wait3A_871] : memref<64x16384xf32, #tpu.memory_space<vmem>> -> memref<1x16384xf32, #tpu.memory_space<vmem>>
    %dma_wait3A_873 = tpu.memref_squeeze %dma_wait3A_872 : memref<1x16384xf32, #tpu.memory_space<vmem>> -> memref<16384xf32, #tpu.memory_space<vmem>>
    tpu.wait_dma2 semaphore(%arg4 : memref<!tpu.dma_semaphore, #tpu.memory_space<semaphore_mem>>) src(%dma_wait3A_873 : memref<16384xf32, #tpu.memory_space<vmem>>) dst(%dma_wait3A_870 : memref<16384xf32, #tpu.memory_space<hbm>>)
    %dma_wait3A_874 = arith.constant 43 : i32
    %dma_wait3A_875 = arith.constant 0 : i32
    %dma_wait3A_876 = tpu.memref_slice %arg3[%get3A_86, %dma_wait3A_875] : memref<4096x16384xf32, #tpu.memory_space<hbm>> -> memref<1x16384xf32, #tpu.memory_space<hbm>>
    %dma_wait3A_877 = tpu.memref_squeeze %dma_wait3A_876 : memref<1x16384xf32, #tpu.memory_space<hbm>> -> memref<16384xf32, #tpu.memory_space<hbm>>
    %dma_wait3A_878 = arith.constant 0 : i32
    %dma_wait3A_879 = tpu.memref_slice %arg2[%dma_wait3A_874, %dma_wait3A_878] : memref<64x16384xf32, #tpu.memory_space<vmem>> -> memref<1x16384xf32, #tpu.memory_space<vmem>>
    %dma_wait3A_880 = tpu.memref_squeeze %dma_wait3A_879 : memref<1x16384xf32, #tpu.memory_space<vmem>> -> memref<16384xf32, #tpu.memory_space<vmem>>
    tpu.wait_dma2 semaphore(%arg4 : memref<!tpu.dma_semaphore, #tpu.memory_space<semaphore_mem>>) src(%dma_wait3A_880 : memref<16384xf32, #tpu.memory_space<vmem>>) dst(%dma_wait3A_877 : memref<16384xf32, #tpu.memory_space<hbm>>)
    %dma_wait3A_881 = arith.constant 44 : i32
    %dma_wait3A_882 = arith.constant 0 : i32
    %dma_wait3A_883 = tpu.memref_slice %arg3[%get3A_88, %dma_wait3A_882] : memref<4096x16384xf32, #tpu.memory_space<hbm>> -> memref<1x16384xf32, #tpu.memory_space<hbm>>
    %dma_wait3A_884 = tpu.memref_squeeze %dma_wait3A_883 : memref<1x16384xf32, #tpu.memory_space<hbm>> -> memref<16384xf32, #tpu.memory_space<hbm>>
    %dma_wait3A_885 = arith.constant 0 : i32
    %dma_wait3A_886 = tpu.memref_slice %arg2[%dma_wait3A_881, %dma_wait3A_885] : memref<64x16384xf32, #tpu.memory_space<vmem>> -> memref<1x16384xf32, #tpu.memory_space<vmem>>
    %dma_wait3A_887 = tpu.memref_squeeze %dma_wait3A_886 : memref<1x16384xf32, #tpu.memory_space<vmem>> -> memref<16384xf32, #tpu.memory_space<vmem>>
    tpu.wait_dma2 semaphore(%arg4 : memref<!tpu.dma_semaphore, #tpu.memory_space<semaphore_mem>>) src(%dma_wait3A_887 : memref<16384xf32, #tpu.memory_space<vmem>>) dst(%dma_wait3A_884 : memref<16384xf32, #tpu.memory_space<hbm>>)
    %dma_wait3A_888 = arith.constant 45 : i32
    %dma_wait3A_889 = arith.constant 0 : i32
    %dma_wait3A_890 = tpu.memref_slice %arg3[%get3A_90, %dma_wait3A_889] : memref<4096x16384xf32, #tpu.memory_space<hbm>> -> memref<1x16384xf32, #tpu.memory_space<hbm>>
    %dma_wait3A_891 = tpu.memref_squeeze %dma_wait3A_890 : memref<1x16384xf32, #tpu.memory_space<hbm>> -> memref<16384xf32, #tpu.memory_space<hbm>>
    %dma_wait3A_892 = arith.constant 0 : i32
    %dma_wait3A_893 = tpu.memref_slice %arg2[%dma_wait3A_888, %dma_wait3A_892] : memref<64x16384xf32, #tpu.memory_space<vmem>> -> memref<1x16384xf32, #tpu.memory_space<vmem>>
    %dma_wait3A_894 = tpu.memref_squeeze %dma_wait3A_893 : memref<1x16384xf32, #tpu.memory_space<vmem>> -> memref<16384xf32, #tpu.memory_space<vmem>>
    tpu.wait_dma2 semaphore(%arg4 : memref<!tpu.dma_semaphore, #tpu.memory_space<semaphore_mem>>) src(%dma_wait3A_894 : memref<16384xf32, #tpu.memory_space<vmem>>) dst(%dma_wait3A_891 : memref<16384xf32, #tpu.memory_space<hbm>>)
    %dma_wait3A_895 = arith.constant 46 : i32
    %dma_wait3A_896 = arith.constant 0 : i32
    %dma_wait3A_897 = tpu.memref_slice %arg3[%get3A_92, %dma_wait3A_896] : memref<4096x16384xf32, #tpu.memory_space<hbm>> -> memref<1x16384xf32, #tpu.memory_space<hbm>>
    %dma_wait3A_898 = tpu.memref_squeeze %dma_wait3A_897 : memref<1x16384xf32, #tpu.memory_space<hbm>> -> memref<16384xf32, #tpu.memory_space<hbm>>
    %dma_wait3A_899 = arith.constant 0 : i32
    %dma_wait3A_900 = tpu.memref_slice %arg2[%dma_wait3A_895, %dma_wait3A_899] : memref<64x16384xf32, #tpu.memory_space<vmem>> -> memref<1x16384xf32, #tpu.memory_space<vmem>>
    %dma_wait3A_901 = tpu.memref_squeeze %dma_wait3A_900 : memref<1x16384xf32, #tpu.memory_space<vmem>> -> memref<16384xf32, #tpu.memory_space<vmem>>
    tpu.wait_dma2 semaphore(%arg4 : memref<!tpu.dma_semaphore, #tpu.memory_space<semaphore_mem>>) src(%dma_wait3A_901 : memref<16384xf32, #tpu.memory_space<vmem>>) dst(%dma_wait3A_898 : memref<16384xf32, #tpu.memory_space<hbm>>)
    %dma_wait3A_902 = arith.constant 47 : i32
    %dma_wait3A_903 = arith.constant 0 : i32
    %dma_wait3A_904 = tpu.memref_slice %arg3[%get3A_94, %dma_wait3A_903] : memref<4096x16384xf32, #tpu.memory_space<hbm>> -> memref<1x16384xf32, #tpu.memory_space<hbm>>
    %dma_wait3A_905 = tpu.memref_squeeze %dma_wait3A_904 : memref<1x16384xf32, #tpu.memory_space<hbm>> -> memref<16384xf32, #tpu.memory_space<hbm>>
    %dma_wait3A_906 = arith.constant 0 : i32
    %dma_wait3A_907 = tpu.memref_slice %arg2[%dma_wait3A_902, %dma_wait3A_906] : memref<64x16384xf32, #tpu.memory_space<vmem>> -> memref<1x16384xf32, #tpu.memory_space<vmem>>
    %dma_wait3A_908 = tpu.memref_squeeze %dma_wait3A_907 : memref<1x16384xf32, #tpu.memory_space<vmem>> -> memref<16384xf32, #tpu.memory_space<vmem>>
    tpu.wait_dma2 semaphore(%arg4 : memref<!tpu.dma_semaphore, #tpu.memory_space<semaphore_mem>>) src(%dma_wait3A_908 : memref<16384xf32, #tpu.memory_space<vmem>>) dst(%dma_wait3A_905 : memref<16384xf32, #tpu.memory_space<hbm>>)
    %dma_wait3A_909 = arith.constant 48 : i32
    %dma_wait3A_910 = arith.constant 0 : i32
    %dma_wait3A_911 = tpu.memref_slice %arg3[%get3A_96, %dma_wait3A_910] : memref<4096x16384xf32, #tpu.memory_space<hbm>> -> memref<1x16384xf32, #tpu.memory_space<hbm>>
    %dma_wait3A_912 = tpu.memref_squeeze %dma_wait3A_911 : memref<1x16384xf32, #tpu.memory_space<hbm>> -> memref<16384xf32, #tpu.memory_space<hbm>>
    %dma_wait3A_913 = arith.constant 0 : i32
    %dma_wait3A_914 = tpu.memref_slice %arg2[%dma_wait3A_909, %dma_wait3A_913] : memref<64x16384xf32, #tpu.memory_space<vmem>> -> memref<1x16384xf32, #tpu.memory_space<vmem>>
    %dma_wait3A_915 = tpu.memref_squeeze %dma_wait3A_914 : memref<1x16384xf32, #tpu.memory_space<vmem>> -> memref<16384xf32, #tpu.memory_space<vmem>>
    tpu.wait_dma2 semaphore(%arg4 : memref<!tpu.dma_semaphore, #tpu.memory_space<semaphore_mem>>) src(%dma_wait3A_915 : memref<16384xf32, #tpu.memory_space<vmem>>) dst(%dma_wait3A_912 : memref<16384xf32, #tpu.memory_space<hbm>>)
    %dma_wait3A_916 = arith.constant 49 : i32
    %dma_wait3A_917 = arith.constant 0 : i32
    %dma_wait3A_918 = tpu.memref_slice %arg3[%get3A_98, %dma_wait3A_917] : memref<4096x16384xf32, #tpu.memory_space<hbm>> -> memref<1x16384xf32, #tpu.memory_space<hbm>>
    %dma_wait3A_919 = tpu.memref_squeeze %dma_wait3A_918 : memref<1x16384xf32, #tpu.memory_space<hbm>> -> memref<16384xf32, #tpu.memory_space<hbm>>
    %dma_wait3A_920 = arith.constant 0 : i32
    %dma_wait3A_921 = tpu.memref_slice %arg2[%dma_wait3A_916, %dma_wait3A_920] : memref<64x16384xf32, #tpu.memory_space<vmem>> -> memref<1x16384xf32, #tpu.memory_space<vmem>>
    %dma_wait3A_922 = tpu.memref_squeeze %dma_wait3A_921 : memref<1x16384xf32, #tpu.memory_space<vmem>> -> memref<16384xf32, #tpu.memory_space<vmem>>
    tpu.wait_dma2 semaphore(%arg4 : memref<!tpu.dma_semaphore, #tpu.memory_space<semaphore_mem>>) src(%dma_wait3A_922 : memref<16384xf32, #tpu.memory_space<vmem>>) dst(%dma_wait3A_919 : memref<16384xf32, #tpu.memory_space<hbm>>)
    %dma_wait3A_923 = arith.constant 50 : i32
    %dma_wait3A_924 = arith.constant 0 : i32
    %dma_wait3A_925 = tpu.memref_slice %arg3[%get3A_100, %dma_wait3A_924] : memref<4096x16384xf32, #tpu.memory_space<hbm>> -> memref<1x16384xf32, #tpu.memory_space<hbm>>
    %dma_wait3A_926 = tpu.memref_squeeze %dma_wait3A_925 : memref<1x16384xf32, #tpu.memory_space<hbm>> -> memref<16384xf32, #tpu.memory_space<hbm>>
    %dma_wait3A_927 = arith.constant 0 : i32
    %dma_wait3A_928 = tpu.memref_slice %arg2[%dma_wait3A_923, %dma_wait3A_927] : memref<64x16384xf32, #tpu.memory_space<vmem>> -> memref<1x16384xf32, #tpu.memory_space<vmem>>
    %dma_wait3A_929 = tpu.memref_squeeze %dma_wait3A_928 : memref<1x16384xf32, #tpu.memory_space<vmem>> -> memref<16384xf32, #tpu.memory_space<vmem>>
    tpu.wait_dma2 semaphore(%arg4 : memref<!tpu.dma_semaphore, #tpu.memory_space<semaphore_mem>>) src(%dma_wait3A_929 : memref<16384xf32, #tpu.memory_space<vmem>>) dst(%dma_wait3A_926 : memref<16384xf32, #tpu.memory_space<hbm>>)
    %dma_wait3A_930 = arith.constant 51 : i32
    %dma_wait3A_931 = arith.constant 0 : i32
    %dma_wait3A_932 = tpu.memref_slice %arg3[%get3A_102, %dma_wait3A_931] : memref<4096x16384xf32, #tpu.memory_space<hbm>> -> memref<1x16384xf32, #tpu.memory_space<hbm>>
    %dma_wait3A_933 = tpu.memref_squeeze %dma_wait3A_932 : memref<1x16384xf32, #tpu.memory_space<hbm>> -> memref<16384xf32, #tpu.memory_space<hbm>>
    %dma_wait3A_934 = arith.constant 0 : i32
    %dma_wait3A_935 = tpu.memref_slice %arg2[%dma_wait3A_930, %dma_wait3A_934] : memref<64x16384xf32, #tpu.memory_space<vmem>> -> memref<1x16384xf32, #tpu.memory_space<vmem>>
    %dma_wait3A_936 = tpu.memref_squeeze %dma_wait3A_935 : memref<1x16384xf32, #tpu.memory_space<vmem>> -> memref<16384xf32, #tpu.memory_space<vmem>>
    tpu.wait_dma2 semaphore(%arg4 : memref<!tpu.dma_semaphore, #tpu.memory_space<semaphore_mem>>) src(%dma_wait3A_936 : memref<16384xf32, #tpu.memory_space<vmem>>) dst(%dma_wait3A_933 : memref<16384xf32, #tpu.memory_space<hbm>>)
    %dma_wait3A_937 = arith.constant 52 : i32
    %dma_wait3A_938 = arith.constant 0 : i32
    %dma_wait3A_939 = tpu.memref_slice %arg3[%get3A_104, %dma_wait3A_938] : memref<4096x16384xf32, #tpu.memory_space<hbm>> -> memref<1x16384xf32, #tpu.memory_space<hbm>>
    %dma_wait3A_940 = tpu.memref_squeeze %dma_wait3A_939 : memref<1x16384xf32, #tpu.memory_space<hbm>> -> memref<16384xf32, #tpu.memory_space<hbm>>
    %dma_wait3A_941 = arith.constant 0 : i32
    %dma_wait3A_942 = tpu.memref_slice %arg2[%dma_wait3A_937, %dma_wait3A_941] : memref<64x16384xf32, #tpu.memory_space<vmem>> -> memref<1x16384xf32, #tpu.memory_space<vmem>>
    %dma_wait3A_943 = tpu.memref_squeeze %dma_wait3A_942 : memref<1x16384xf32, #tpu.memory_space<vmem>> -> memref<16384xf32, #tpu.memory_space<vmem>>
    tpu.wait_dma2 semaphore(%arg4 : memref<!tpu.dma_semaphore, #tpu.memory_space<semaphore_mem>>) src(%dma_wait3A_943 : memref<16384xf32, #tpu.memory_space<vmem>>) dst(%dma_wait3A_940 : memref<16384xf32, #tpu.memory_space<hbm>>)
    %dma_wait3A_944 = arith.constant 53 : i32
    %dma_wait3A_945 = arith.constant 0 : i32
    %dma_wait3A_946 = tpu.memref_slice %arg3[%get3A_106, %dma_wait3A_945] : memref<4096x16384xf32, #tpu.memory_space<hbm>> -> memref<1x16384xf32, #tpu.memory_space<hbm>>
    %dma_wait3A_947 = tpu.memref_squeeze %dma_wait3A_946 : memref<1x16384xf32, #tpu.memory_space<hbm>> -> memref<16384xf32, #tpu.memory_space<hbm>>
    %dma_wait3A_948 = arith.constant 0 : i32
    %dma_wait3A_949 = tpu.memref_slice %arg2[%dma_wait3A_944, %dma_wait3A_948] : memref<64x16384xf32, #tpu.memory_space<vmem>> -> memref<1x16384xf32, #tpu.memory_space<vmem>>
    %dma_wait3A_950 = tpu.memref_squeeze %dma_wait3A_949 : memref<1x16384xf32, #tpu.memory_space<vmem>> -> memref<16384xf32, #tpu.memory_space<vmem>>
    tpu.wait_dma2 semaphore(%arg4 : memref<!tpu.dma_semaphore, #tpu.memory_space<semaphore_mem>>) src(%dma_wait3A_950 : memref<16384xf32, #tpu.memory_space<vmem>>) dst(%dma_wait3A_947 : memref<16384xf32, #tpu.memory_space<hbm>>)
    %dma_wait3A_951 = arith.constant 54 : i32
    %dma_wait3A_952 = arith.constant 0 : i32
    %dma_wait3A_953 = tpu.memref_slice %arg3[%get3A_108, %dma_wait3A_952] : memref<4096x16384xf32, #tpu.memory_space<hbm>> -> memref<1x16384xf32, #tpu.memory_space<hbm>>
    %dma_wait3A_954 = tpu.memref_squeeze %dma_wait3A_953 : memref<1x16384xf32, #tpu.memory_space<hbm>> -> memref<16384xf32, #tpu.memory_space<hbm>>
    %dma_wait3A_955 = arith.constant 0 : i32
    %dma_wait3A_956 = tpu.memref_slice %arg2[%dma_wait3A_951, %dma_wait3A_955] : memref<64x16384xf32, #tpu.memory_space<vmem>> -> memref<1x16384xf32, #tpu.memory_space<vmem>>
    %dma_wait3A_957 = tpu.memref_squeeze %dma_wait3A_956 : memref<1x16384xf32, #tpu.memory_space<vmem>> -> memref<16384xf32, #tpu.memory_space<vmem>>
    tpu.wait_dma2 semaphore(%arg4 : memref<!tpu.dma_semaphore, #tpu.memory_space<semaphore_mem>>) src(%dma_wait3A_957 : memref<16384xf32, #tpu.memory_space<vmem>>) dst(%dma_wait3A_954 : memref<16384xf32, #tpu.memory_space<hbm>>)
    %dma_wait3A_958 = arith.constant 55 : i32
    %dma_wait3A_959 = arith.constant 0 : i32
    %dma_wait3A_960 = tpu.memref_slice %arg3[%get3A_110, %dma_wait3A_959] : memref<4096x16384xf32, #tpu.memory_space<hbm>> -> memref<1x16384xf32, #tpu.memory_space<hbm>>
    %dma_wait3A_961 = tpu.memref_squeeze %dma_wait3A_960 : memref<1x16384xf32, #tpu.memory_space<hbm>> -> memref<16384xf32, #tpu.memory_space<hbm>>
    %dma_wait3A_962 = arith.constant 0 : i32
    %dma_wait3A_963 = tpu.memref_slice %arg2[%dma_wait3A_958, %dma_wait3A_962] : memref<64x16384xf32, #tpu.memory_space<vmem>> -> memref<1x16384xf32, #tpu.memory_space<vmem>>
    %dma_wait3A_964 = tpu.memref_squeeze %dma_wait3A_963 : memref<1x16384xf32, #tpu.memory_space<vmem>> -> memref<16384xf32, #tpu.memory_space<vmem>>
    tpu.wait_dma2 semaphore(%arg4 : memref<!tpu.dma_semaphore, #tpu.memory_space<semaphore_mem>>) src(%dma_wait3A_964 : memref<16384xf32, #tpu.memory_space<vmem>>) dst(%dma_wait3A_961 : memref<16384xf32, #tpu.memory_space<hbm>>)
    %dma_wait3A_965 = arith.constant 56 : i32
    %dma_wait3A_966 = arith.constant 0 : i32
    %dma_wait3A_967 = tpu.memref_slice %arg3[%get3A_112, %dma_wait3A_966] : memref<4096x16384xf32, #tpu.memory_space<hbm>> -> memref<1x16384xf32, #tpu.memory_space<hbm>>
    %dma_wait3A_968 = tpu.memref_squeeze %dma_wait3A_967 : memref<1x16384xf32, #tpu.memory_space<hbm>> -> memref<16384xf32, #tpu.memory_space<hbm>>
    %dma_wait3A_969 = arith.constant 0 : i32
    %dma_wait3A_970 = tpu.memref_slice %arg2[%dma_wait3A_965, %dma_wait3A_969] : memref<64x16384xf32, #tpu.memory_space<vmem>> -> memref<1x16384xf32, #tpu.memory_space<vmem>>
    %dma_wait3A_971 = tpu.memref_squeeze %dma_wait3A_970 : memref<1x16384xf32, #tpu.memory_space<vmem>> -> memref<16384xf32, #tpu.memory_space<vmem>>
    tpu.wait_dma2 semaphore(%arg4 : memref<!tpu.dma_semaphore, #tpu.memory_space<semaphore_mem>>) src(%dma_wait3A_971 : memref<16384xf32, #tpu.memory_space<vmem>>) dst(%dma_wait3A_968 : memref<16384xf32, #tpu.memory_space<hbm>>)
    %dma_wait3A_972 = arith.constant 57 : i32
    %dma_wait3A_973 = arith.constant 0 : i32
    %dma_wait3A_974 = tpu.memref_slice %arg3[%get3A_114, %dma_wait3A_973] : memref<4096x16384xf32, #tpu.memory_space<hbm>> -> memref<1x16384xf32, #tpu.memory_space<hbm>>
    %dma_wait3A_975 = tpu.memref_squeeze %dma_wait3A_974 : memref<1x16384xf32, #tpu.memory_space<hbm>> -> memref<16384xf32, #tpu.memory_space<hbm>>
    %dma_wait3A_976 = arith.constant 0 : i32
    %dma_wait3A_977 = tpu.memref_slice %arg2[%dma_wait3A_972, %dma_wait3A_976] : memref<64x16384xf32, #tpu.memory_space<vmem>> -> memref<1x16384xf32, #tpu.memory_space<vmem>>
    %dma_wait3A_978 = tpu.memref_squeeze %dma_wait3A_977 : memref<1x16384xf32, #tpu.memory_space<vmem>> -> memref<16384xf32, #tpu.memory_space<vmem>>
    tpu.wait_dma2 semaphore(%arg4 : memref<!tpu.dma_semaphore, #tpu.memory_space<semaphore_mem>>) src(%dma_wait3A_978 : memref<16384xf32, #tpu.memory_space<vmem>>) dst(%dma_wait3A_975 : memref<16384xf32, #tpu.memory_space<hbm>>)
    %dma_wait3A_979 = arith.constant 58 : i32
    %dma_wait3A_980 = arith.constant 0 : i32
    %dma_wait3A_981 = tpu.memref_slice %arg3[%get3A_116, %dma_wait3A_980] : memref<4096x16384xf32, #tpu.memory_space<hbm>> -> memref<1x16384xf32, #tpu.memory_space<hbm>>
    %dma_wait3A_982 = tpu.memref_squeeze %dma_wait3A_981 : memref<1x16384xf32, #tpu.memory_space<hbm>> -> memref<16384xf32, #tpu.memory_space<hbm>>
    %dma_wait3A_983 = arith.constant 0 : i32
    %dma_wait3A_984 = tpu.memref_slice %arg2[%dma_wait3A_979, %dma_wait3A_983] : memref<64x16384xf32, #tpu.memory_space<vmem>> -> memref<1x16384xf32, #tpu.memory_space<vmem>>
    %dma_wait3A_985 = tpu.memref_squeeze %dma_wait3A_984 : memref<1x16384xf32, #tpu.memory_space<vmem>> -> memref<16384xf32, #tpu.memory_space<vmem>>
    tpu.wait_dma2 semaphore(%arg4 : memref<!tpu.dma_semaphore, #tpu.memory_space<semaphore_mem>>) src(%dma_wait3A_985 : memref<16384xf32, #tpu.memory_space<vmem>>) dst(%dma_wait3A_982 : memref<16384xf32, #tpu.memory_space<hbm>>)
    %dma_wait3A_986 = arith.constant 59 : i32
    %dma_wait3A_987 = arith.constant 0 : i32
    %dma_wait3A_988 = tpu.memref_slice %arg3[%get3A_118, %dma_wait3A_987] : memref<4096x16384xf32, #tpu.memory_space<hbm>> -> memref<1x16384xf32, #tpu.memory_space<hbm>>
    %dma_wait3A_989 = tpu.memref_squeeze %dma_wait3A_988 : memref<1x16384xf32, #tpu.memory_space<hbm>> -> memref<16384xf32, #tpu.memory_space<hbm>>
    %dma_wait3A_990 = arith.constant 0 : i32
    %dma_wait3A_991 = tpu.memref_slice %arg2[%dma_wait3A_986, %dma_wait3A_990] : memref<64x16384xf32, #tpu.memory_space<vmem>> -> memref<1x16384xf32, #tpu.memory_space<vmem>>
    %dma_wait3A_992 = tpu.memref_squeeze %dma_wait3A_991 : memref<1x16384xf32, #tpu.memory_space<vmem>> -> memref<16384xf32, #tpu.memory_space<vmem>>
    tpu.wait_dma2 semaphore(%arg4 : memref<!tpu.dma_semaphore, #tpu.memory_space<semaphore_mem>>) src(%dma_wait3A_992 : memref<16384xf32, #tpu.memory_space<vmem>>) dst(%dma_wait3A_989 : memref<16384xf32, #tpu.memory_space<hbm>>)
    %dma_wait3A_993 = arith.constant 60 : i32
    %dma_wait3A_994 = arith.constant 0 : i32
    %dma_wait3A_995 = tpu.memref_slice %arg3[%get3A_120, %dma_wait3A_994] : memref<4096x16384xf32, #tpu.memory_space<hbm>> -> memref<1x16384xf32, #tpu.memory_space<hbm>>
    %dma_wait3A_996 = tpu.memref_squeeze %dma_wait3A_995 : memref<1x16384xf32, #tpu.memory_space<hbm>> -> memref<16384xf32, #tpu.memory_space<hbm>>
    %dma_wait3A_997 = arith.constant 0 : i32
    %dma_wait3A_998 = tpu.memref_slice %arg2[%dma_wait3A_993, %dma_wait3A_997] : memref<64x16384xf32, #tpu.memory_space<vmem>> -> memref<1x16384xf32, #tpu.memory_space<vmem>>
    %dma_wait3A_999 = tpu.memref_squeeze %dma_wait3A_998 : memref<1x16384xf32, #tpu.memory_space<vmem>> -> memref<16384xf32, #tpu.memory_space<vmem>>
    tpu.wait_dma2 semaphore(%arg4 : memref<!tpu.dma_semaphore, #tpu.memory_space<semaphore_mem>>) src(%dma_wait3A_999 : memref<16384xf32, #tpu.memory_space<vmem>>) dst(%dma_wait3A_996 : memref<16384xf32, #tpu.memory_space<hbm>>)
    %dma_wait3A_1000 = arith.constant 61 : i32
    %dma_wait3A_1001 = arith.constant 0 : i32
    %dma_wait3A_1002 = tpu.memref_slice %arg3[%get3A_122, %dma_wait3A_1001] : memref<4096x16384xf32, #tpu.memory_space<hbm>> -> memref<1x16384xf32, #tpu.memory_space<hbm>>
    %dma_wait3A_1003 = tpu.memref_squeeze %dma_wait3A_1002 : memref<1x16384xf32, #tpu.memory_space<hbm>> -> memref<16384xf32, #tpu.memory_space<hbm>>
    %dma_wait3A_1004 = arith.constant 0 : i32
    %dma_wait3A_1005 = tpu.memref_slice %arg2[%dma_wait3A_1000, %dma_wait3A_1004] : memref<64x16384xf32, #tpu.memory_space<vmem>> -> memref<1x16384xf32, #tpu.memory_space<vmem>>
    %dma_wait3A_1006 = tpu.memref_squeeze %dma_wait3A_1005 : memref<1x16384xf32, #tpu.memory_space<vmem>> -> memref<16384xf32, #tpu.memory_space<vmem>>
    tpu.wait_dma2 semaphore(%arg4 : memref<!tpu.dma_semaphore, #tpu.memory_space<semaphore_mem>>) src(%dma_wait3A_1006 : memref<16384xf32, #tpu.memory_space<vmem>>) dst(%dma_wait3A_1003 : memref<16384xf32, #tpu.memory_space<hbm>>)
    %dma_wait3A_1007 = arith.constant 62 : i32
    %dma_wait3A_1008 = arith.constant 0 : i32
    %dma_wait3A_1009 = tpu.memref_slice %arg3[%get3A_124, %dma_wait3A_1008] : memref<4096x16384xf32, #tpu.memory_space<hbm>> -> memref<1x16384xf32, #tpu.memory_space<hbm>>
    %dma_wait3A_1010 = tpu.memref_squeeze %dma_wait3A_1009 : memref<1x16384xf32, #tpu.memory_space<hbm>> -> memref<16384xf32, #tpu.memory_space<hbm>>
    %dma_wait3A_1011 = arith.constant 0 : i32
    %dma_wait3A_1012 = tpu.memref_slice %arg2[%dma_wait3A_1007, %dma_wait3A_1011] : memref<64x16384xf32, #tpu.memory_space<vmem>> -> memref<1x16384xf32, #tpu.memory_space<vmem>>
    %dma_wait3A_1013 = tpu.memref_squeeze %dma_wait3A_1012 : memref<1x16384xf32, #tpu.memory_space<vmem>> -> memref<16384xf32, #tpu.memory_space<vmem>>
    tpu.wait_dma2 semaphore(%arg4 : memref<!tpu.dma_semaphore, #tpu.memory_space<semaphore_mem>>) src(%dma_wait3A_1013 : memref<16384xf32, #tpu.memory_space<vmem>>) dst(%dma_wait3A_1010 : memref<16384xf32, #tpu.memory_space<hbm>>)
    %dma_wait3A_1014 = arith.constant 63 : i32
    %dma_wait3A_1015 = arith.constant 0 : i32
    %dma_wait3A_1016 = tpu.memref_slice %arg3[%get3A_126, %dma_wait3A_1015] : memref<4096x16384xf32, #tpu.memory_space<hbm>> -> memref<1x16384xf32, #tpu.memory_space<hbm>>
    %dma_wait3A_1017 = tpu.memref_squeeze %dma_wait3A_1016 : memref<1x16384xf32, #tpu.memory_space<hbm>> -> memref<16384xf32, #tpu.memory_space<hbm>>
    %dma_wait3A_1018 = arith.constant 0 : i32
    %dma_wait3A_1019 = tpu.memref_slice %arg2[%dma_wait3A_1014, %dma_wait3A_1018] : memref<64x16384xf32, #tpu.memory_space<vmem>> -> memref<1x16384xf32, #tpu.memory_space<vmem>>
    %dma_wait3A_1020 = tpu.memref_squeeze %dma_wait3A_1019 : memref<1x16384xf32, #tpu.memory_space<vmem>> -> memref<16384xf32, #tpu.memory_space<vmem>>
    tpu.wait_dma2 semaphore(%arg4 : memref<!tpu.dma_semaphore, #tpu.memory_space<semaphore_mem>>) src(%dma_wait3A_1020 : memref<16384xf32, #tpu.memory_space<vmem>>) dst(%dma_wait3A_1017 : memref<16384xf32, #tpu.memory_space<hbm>>)
    return
  }
}

</mosaic_0001>

<sc_bundles>
// kernel: kernel.5.cloned.1.call-start
scs
__scs_entry_jumppad:
0x0: {  	(pc) =	sbr.rel $0x88, $3  }
0x1: {  	(tag) =	ssettag $0x0;
	lr =	simm.s32 $0x1  }
0x2: {  	[smem:$0x3F9F] =	sst lr;
	_ =	strace $0xD0000000  }
0x3: {  	_ = 	snop  }
0x4: {  	_ = 	snop  }
0x5: {  	_ = 	snop  }
0x6: {  	_ = 	snop  }
0x7: {  	_ = 	snop  }
__scs_overlays_trampoline_lowered:
0x8: {  	[smem:$0x3FAE] =	sst s0  }
0x9: {  	[smem:$0x3FAF] =	sst s1  }
0xa: {  	[smem:$0x3FB0] =	sst s2  }
0xb: {  	[smem:$0x3FB1] =	sst s3  }
0xc: {  	[smem:$0x3FB2] =	sst s4  }
0xd: {  	[smem:$0x3FB3] =	sst s5  }
0xe: {  	[smem:$0x3FB4] =	sst s6  }
0xf: {  	[smem:$0x3FB5] =	sst s7  }
0x10: {  	[smem:$0x3FB6] =	sst s8  }
0x11: {  	[smem:$0x3FB7] =	sst s9;
	s0 =	simm.s32 @!p0 $0x0  }
0x12: {  	s1 =	sld [smem:$0x3F9D];
	s0 =	simm.s32 @p0 $0x1  }
0x13: {  	[smem:$0x3FB8] =	sst s0;
	s0 =	simm.s32 @!p1 $0x0  }
0x14: {  	s2 =	sld [smem:$0x3F9C];
	s0 =	simm.s32 @p1 $0x1  }
0x15: {  	[smem:$0x3FB9] =	sst s0;
	s0 =	simm.s32 @!p2 $0x0  }
0x16: {  	s3 =	sld [smem:$0x3FDB];
	s0 =	simm.s32 @p2 $0x1  }
0x17: {  	s4 =	simm.s32 $0x1BF5;
	[smem:$0x3FBB] =	sst s0  }
0x18: {  	s0 =	sld [smem:$0x3F9E];
	_ =	swait.ge [sflag:s4], $0x0  }
0x19: {  	s7 =	sld [smem:$0x3F9F]  }
0x1a: {  	s8 =	sadd.s32 $0xFFFFE003, lr  }
0x1b: {  	s9 =	sadd.s32 $0xFFFFFEF7, lr;
	s5 =	simm.s32 $0xFFFFFFFF;
	p2 =	slt.u32 s8, $0xFFFFF086  }
0x1c: {  	p1 =	slt.u32 s9, $0xF7A;
	s5 =	simm.s32 @!p2 $0x0  }
0x1d: {  	s5 =	simm.s32 @p1 $0x1;
	p0 =	seq.s32 s7, s2  }
0x1e: {  	s7 =	smul.u32 @!p0 $0xF7A, s2;
	p2 =	seq.s32 @!p0 s5, $0x0  }
0x1f: {  	s9 =	smul.u32 $0xF7A, s1;
	s8 =	simm.s32 @!p0 $0x1BF5;
	p2 =	por !p2, p0  }
0x20: {  	[sflag:s8] =	ssyncset.s32 @!p0 $0xFFFFF086;
	s6 =	sadd.s32 @!p0 s3, s7;
	s7 =	simm.s32 @!p0 $0x108  }
0x21: {  	s3 =	sadd.s32 s3, s9;
	s6 =	sadd.s32 @!p0 $0x88, s6;
	s7 =	simm.s32 @p2 $0x1082  }
0x22: {  	[simem:s7], [sflag:s8] =	dma.local @!p0 [hbm:s6], $0xF7A  }
0x23: {  	s9 =	sor.u32 $0xD0000000, s2;
	s6 =	simm.s32 $0x108;
	_ =	swait.ge @!p0 [sflag:s8], $0x0  }
0x24: {  	s3 =	sadd.s32 $0x88, s3;
	s6 =	simm.s32 @!p1 $0x1082;
	[sflag:s4] =	ssyncset.s32 $0xFFFFF086  }
0x25: {  	[simem:s6], [sflag:s4] =	dma.local [hbm:s3], $0xF7A  }
0x26: {  	[smem:$0x3F9F] =	sst s1;
	(tag) =	ssettag s2;
	_ =	strace s9  }
0x27: {  	s1 =	sld [smem:$0x3FAF]  }
0x28: {  	s2 =	sld [smem:$0x3FB0]  }
0x29: {  	s4 =	sld [smem:$0x3FB2]  }
0x2a: {  	p0 =	seq.s32 s5, $0x0;
	s5 =	sld [smem:$0x3FB3]  }
0x2b: {  	s6 =	sld [smem:$0x3FB4]  }
0x2c: {  	s7 =	sld [smem:$0x3FB5]  }
0x2d: {  	s3 =	simm.s32 $0x108;
	s8 =	sld [smem:$0x3FB6]  }
0x2e: {  	s3 =	simm.s32 @!p0 $0x1082;
	s9 =	sld [smem:$0x3FB7]  }
0x2f: {  	lr =	sadd.s32 s0, s3;
	s0 =	sld [smem:$0x3FAE]  }
0x30: {  	s3 =	sld [smem:$0x3FB1]  }
0x31: {  	[smem:$0x3FBA] =	sst s10  }
0x32: {  	s10 =	sld [smem:$0x3FB8];
	_ =	sdelay $0x3  }
0x33: {  	p0 =	seq.s32 s10, $0x1;
	s10 =	sld [smem:$0x3FBA];
	_ =	sdelay $0x3  }
0x34: {  	[smem:$0x3FBA] =	sst s10  }
0x35: {  	s10 =	sld [smem:$0x3FB9];
	_ =	sdelay $0x3  }
0x36: {  	p1 =	seq.s32 s10, $0x1;
	s10 =	sld [smem:$0x3FBA];
	_ =	sdelay $0x3  }
0x37: {  	[smem:$0x3FBA] =	sst s10  }
0x38: {  	s10 =	sld [smem:$0x3FBB]  }
0x39: {  	_ = 	snop;
	(pc) =	sbr.ind lr, $3  }
0x3a: {  	_ = 	snop  }
0x3b: {  	_ = 	snop  }
0x3c: {  	p2 =	seq.s32 s10, $0x1;
	s10 =	sld [smem:$0x3FBA]  }
0x3d: {  	_ =	shalt  }
0x3e: {  	_ =	shalt  }
0x3f: {  	_ =	shalt  }
0x40: {  	_ =	shalt  }
0x41: {  	_ =	shalt  }
0x42: {  	_ =	shalt  }
0x43: {  	_ =	shalt  }
0x44: {  	_ =	shalt  }
0x45: {  	_ =	shalt  }
0x46: {  	_ =	shalt  }
0x47: {  	_ =	shalt  }
0x48: {  	_ =	shalt  }
0x49: {  	_ =	shalt  }
0x4a: {  	_ =	shalt  }
0x4b: {  	_ =	shalt  }
0x4c: {  	_ =	shalt  }
0x4d: {  	_ =	shalt  }
0x4e: {  	_ =	shalt  }
0x4f: {  	_ =	shalt  }
0x50: {  	_ =	shalt  }
0x51: {  	_ =	shalt  }
0x52: {  	_ =	shalt  }
0x53: {  	_ =	shalt  }
0x54: {  	_ =	shalt  }
0x55: {  	_ =	shalt  }
0x56: {  	_ =	shalt  }
0x57: {  	_ =	shalt  }
0x58: {  	_ =	shalt  }
0x59: {  	_ =	shalt  }
0x5a: {  	_ =	shalt  }
0x5b: {  	_ =	shalt  }
0x5c: {  	_ =	shalt  }
0x5d: {  	_ =	shalt  }
0x5e: {  	_ =	shalt  }
0x5f: {  	_ =	shalt  }
0x60: {  	_ =	shalt  }
0x61: {  	_ =	shalt  }
0x62: {  	_ =	shalt  }
0x63: {  	_ =	shalt  }
0x64: {  	_ =	shalt  }
0x65: {  	_ =	shalt  }
0x66: {  	_ =	shalt  }
0x67: {  	_ =	shalt  }
0x68: {  	_ =	shalt  }
0x69: {  	_ =	shalt  }
0x6a: {  	_ =	shalt  }
0x6b: {  	_ =	shalt  }
0x6c: {  	_ =	shalt  }
0x6d: {  	_ =	shalt  }
0x6e: {  	_ =	shalt  }
0x6f: {  	_ =	shalt  }
0x70: {  	_ =	shalt  }
0x71: {  	_ =	shalt  }
0x72: {  	_ =	shalt  }
0x73: {  	_ =	shalt  }
0x74: {  	_ =	shalt  }
0x75: {  	_ =	shalt  }
0x76: {  	_ =	shalt  }
0x77: {  	_ =	shalt  }
0x78: {  	_ =	shalt  }
0x79: {  	_ =	shalt  }
0x7a: {  	_ =	shalt  }
0x7b: {  	_ =	shalt  }
0x7c: {  	_ =	shalt  }
0x7d: {  	_ =	shalt  }
0x7e: {  	_ =	shalt  }
0x7f: {  	_ =	shalt  }
0x80: {  	_ =	shalt  }
0x81: {  	_ =	shalt  }
0x82: {  	_ =	shalt  }
0x83: {  	_ =	shalt  }
0x84: {  	_ =	shalt  }
0x85: {  	_ =	shalt  }
0x86: {  	_ =	shalt  }
0x87: {  	_ =	shalt  }
.Lfunc_end0:
.L_simem_size_0:
called_computation_lowered:
.L_overlay_start_0:
0x88: {  	s2 =	sld [smem:$0x3FD9]  }
0x89: {  	s3 =	sld [smem:$0x3FFE];
	_ =	sdelay $0x1  }
0x8a: {  	s1 =	srdreg.scid  }
0x8b: {  	s0 =	sand.u32 $0x1, s1  }
0x8c: {  	s17 =	sshll.u32 s0, $0xA;
	s2 =	sadd.s32 s3, s2  }
0x8d: {  	s2 =	sadd.s32 s2, s17  }
0x8e: {  	[smem:$0x3FC6] =	sst s2  }
0x8f: {  	_ = 	snop  }
0x90: {  	s2 =	sld [smem:$0x3FC9];
	(tm) =	ssettm $0x1  }
0x91: {  	s18 =	sld [smem:$0x3FFB];
	_ =	sdelay $0x3  }
0x92: {  	_ =	strace s18  }
0x93: {  	s3 =	sld [smem:$0x3FFC];
	_ =	sdelay $0x3  }
0x94: {  	_ =	strace s3  }
0x95: {  	s3 =	sld [smem:$0x3FFD];
	_ =	sdelay $0x3  }
0x96: {  	_ =	strace s3  }
0x97: {  	_ =	strace $0x8FFFFFFF  }
0x98: {  	s19 =	sld [smem:$0x3FDB];
	_ =	sdelay $0x1  }
0x99: {  	s4 =	simm.s32 $_scs_section_size  }
0x9a: {  	s5 =	simm.s32 $_size__tile_overlayer_lowered;
	s6 =	simm.s32 $_tile_overlayer_lowered  }
0x9b: {  	s22 =	simm.s32 $0x1BFF;
	s21 =	sshll.u32 s6, $0x1;
	s3 =	sadd.s32 s4, s19  }
0x9c: {  	s7 =	simm.s32 $0x0;
	s20 =	sshll.u32 s5, $0x1;
	s5 =	sadd.s32 s21, s3  }
0x9d: {  	[timem:s7], [sflag:s22] =	dma.local [hbm:s5], s20  }
0x9e: {  	_ =	swait.ge [sflag:s22], s20  }
0x9f: {  	s4 =	ssub.s32 $0x0, s20;
	[sflag:s22] =	ssyncset.done $0x0  }
0xa0: {  	[sflag:s22] =	ssyncadd.s32 s4;
	_ =	sdelay $0x1  }
0xa1: {  	s23 =	simm.s32 $0x1B8B  }
0xa2: {  	_ =	swait.ge [sflag:s23], $0x1  }
0xa3: {  	[sflag:s23] =	ssyncset.done $0x0  }
0xa4: {  	s25 =	simm.s32 $0x1B8E;
	s24 =	sld [smem:$0x3FFE];
	[sflag:s23] =	ssyncadd.s32 $0xFFFFFFFF  }
0xa5: {  	s26 =	simm.s32 $execute0_lowered;
	[smem:$0x3FD2] =	sst s25  }
0xa6: {  	s5 =	sshll.u32 s26, $0x1;
	_ =	strace $0x80000046;
	[dreg:$0x1] =	wrdreg $0xFFFFFFFF  }
0xa7: {  	s28 =	simm.s32 $_size_execute0_lowered;
	s3 =	sadd.s32 s3, s5;
	[dreg:$0x0] =	wrdreg $0x0  }
0xa8: {  	s5 =	sshll.u32 s28, $0x1;
	[dreg:$0x2] =	wrdreg s3  }
0xa9: {  	[dreg:$0x3] =	wrdreg s5  }
0xaa: {  	[dreg:$0x4] =	wrdreg $0xC0  }
0xab: {  	_ =	task [dreg:s7], $0x5FFFF  }
0xac: {  	[dreg:$0x1] =	wrdreg $0xFFFFFFFF  }
0xad: {  	[dreg:$0x0] =	wrdreg $0x60  }
0xae: {  	[dreg:$0x2] =	wrdreg s24  }
0xaf: {  	[dreg:$0x3] =	wrdreg s2  }
0xb0: {  	[dreg:$0x4] =	wrdreg $0x9  }
0xb1: {  	_ =	task.clear_ibuf [dreg:s7], $0x5FFFF;
	_ =	strace $0x90000046  }
0xb2: {  	s29 =	simm.s32 $0x9;
	_ =	strace $0x80000048  }
0xb3: {  	_ =	swait.ge [sflag:s29], $0x1  }
0xb4: {  	[sflag:s29] =	ssyncadd.s32 $0xFFFFFFFF  }
0xb5: {  	_ =	strace $0x90000048  }
0xb6: {  	_ =	sfence  }
0xb7: {  	s30 =	sld [smem:$0x0];
	_ =	sdelay $0x2  }
0xb8: {  	s31 =	sshll.u32 s1, $0xD;
	s1 =	sshrl.u32 s1, $0x2  }
0xb9: {  	s3 =	sand.u32 $0x4000, s31;
	s1 =	sadd.s32 s1, s30  }
0xba: {  	s0 =	sor.u32 s3, s0;
	s1 =	sshll.u32 s1, $0x11  }
0xbb: {  	s0 =	sor.u32 s1, s0  }
0xbc: {  	s0 =	sadd.s32 $0x8F2B, s0  }
0xbd: {  	[sflag:s0] =	ssyncadd.remote.s32 $0x1  }
0xbe: {  	_ =	sfence.sel $0xFFFF  }
0xbf: {  	[dreg:$0x0] =	wrdreg $0xFFFFFFFF;
	(pc) =	sbr.abs _section_cstart, $3  }
0xc0: {  	[dreg:$0x1] =	wrdreg $0xFFFFFFFF  }
0xc1: {  	_ =	task.clear_ibuf [dreg:s7], $0x2FFFF;
	_ =	strace $0x9FFFFFFF  }
0xc2: {  	(tm) =	ssettm $0x7FFFFFFF  }
0xc3: {  	_ =	shalt  }
tec
execute0_lowered:
.L_overlay_start_1:
0x0: {  	(tag) =	ssettag $0x1  }
0x1: {  	s0 =	rddreg [dreg:$0x0]  }
0x2: {  	s20 =	rddreg [dreg:$0x1]  }
0x3: {  	s3 =	simm.s32 $0x0;
	s1 =	srdreg.scid;
	s7 =	stileid.u32  }
0x4: {  	s23 =	simm.s32 $0x2;
	s24 =	simm.s32 $0x1000;
	s25 =	simm.s32 $0x100  }
0x5: {  	s26 =	simm.s32 $0x400;
	s28 =	simm.s32 $0x0;
	[smem:$0x7FF] =	sst s3  }
0x6: {  	s1 =	sand.u32 $0x1, s1;
	s4 =	sadd.s32 $0x800, s0;
	s2 =	sshll.u32 s7, $0xD  }
0x7: {  	s7 =	sshll.u32 s7, $0x1;
	s8 =	sadd.s32 $0xC00, s20;
	s9 =	sadd.s32 $0x1000, s20  }
0x8: {  	s10 =	sadd.s32 $0x1400, s20;
	s11 =	sadd.s32 $0x1800, s20;
	s12 =	sadd.s32 $0x1C00, s20  }
0x9: {  	s13 =	sadd.s32 $0x2000, s20;
	s14 =	sadd.s32 $0x2400, s20;
	s15 =	sadd.s32 $0x2800, s20  }
0xa: {  	s16 =	sadd.s32 $0x2C00, s20;
	s17 =	sadd.s32 $0x3000, s20;
	s18 =	sadd.s32 $0x3400, s20  }
0xb: {  	s19 =	sadd.s32 $0x3800, s20;
	_ =	strace $0x80000047;
	s5 =	ssub.s32 $0x2, s1  }
0xc: {  	s2 =	sand.u32 $0x1C000, s2;
	s1 =	sor.u32 s1, s7;
	s6 =	sshrl.u32 s5, $0x1  }
0xd: {  	s31 =	ssub.s32 s5, s6;
	s5 =	sshll.u32 s1, $0x7;
	s1 =	sshll.u32 s1, $0x5  }
0xe: {  	v0 =	vlaneseq.u32;
	s7 =	sadd.s32 $0x800, s20;
	s0 =	sadd.s32 s2, s0;
	s1 =	sand.u32 $0x60, s1  }
0xf: {  	v1 =	vshrl.u32 v0, $0x1;
	s2 =	simm.s32 $0x1;
	s6 =	sadd.s32 $0x400, s20;
	s0 =	sadd.s32 s1, s0  }
0x10: {  	vm0 =	vmmov $0xffff;
	v0 =	vand.u32 $0x1, v0;
	v1 =	vmul.u32 $0x8, v1;
	s20 =	sadd.s32 $0x3C00, s20;
	s22 =	smax.u32 s31, $0x1;
	s21 =	sadd.s32 $0xA00, s0  }
.LBB2_1:
0x11: {  	[tilespmem:s3], [sflag:$0x2] =	stream.linear.gather [hbm4b:s4+s3], $0x1000, $0x38;
	[tilespmem:$0x9000] =	vst v63  }
0x12: {  	_ =	swait.ge [sflag:s23], $0x1000  }
0x13: {  	[sflag:s23] =	ssyncset.done $0x0  }
0x14: {  	[sflag:s23] =	ssyncadd.s32 $0xFFFFF000  }
0x15: {  	v2 =	vld.msk [tilespmem:s5+$0x0], $0x3;
	_ =	sdelay $0x4  }
0x16: {  	v3 =	vshll.u32 v2, $0x7  }
0x17: {  	v2 =	vand.u32 $0x7, v2;
	v3 =	vand.u32 $0xFFFFFC00, v3  }
0x18: {  	v2 =	vor.u32 v2, v3  }
0x19: {  	v2 =	vperm.xlane v2, v0;
	_ =	sdelay $0x1  }
0x1a: {  	v2 =	vadd.s32 v1, v2;
	_ =	sdelay $0x3  }
0x1b: {  	s0 =	rddreg [dreg:$0x1]  }
0x1c: {  	[tilespmem:s24], [sflag:$0x1] =	stream.indirect_vreg.gather [hbm4b:s0+s3], $0x80, v2, vm0, $0xb8;
	[tilespmem:$0x9000] =	vst v63  }
0x1d: {  	s1 =	simm.s32 $0x1800  }
0x1e: {  	[tilespmem:s1], [sflag:$0x1] =	stream.indirect_vreg.gather [hbm4b:s6+s3], $0x80, v2, vm0, $0xb8;
	[tilespmem:$0x9000] =	vst v63  }
0x1f: {  	s1 =	simm.s32 $0x2000  }
0x20: {  	[tilespmem:s1], [sflag:$0x1] =	stream.indirect_vreg.gather [hbm4b:s7+s3], $0x80, v2, vm0, $0xb8;
	[tilespmem:$0x9000] =	vst v63  }
0x21: {  	s1 =	simm.s32 $0x2800  }
0x22: {  	[tilespmem:s1], [sflag:$0x1] =	stream.indirect_vreg.gather [hbm4b:s8+s3], $0x80, v2, vm0, $0xb8;
	[tilespmem:$0x9000] =	vst v63  }
0x23: {  	s1 =	simm.s32 $0x3000  }
0x24: {  	[tilespmem:s1], [sflag:$0x1] =	stream.indirect_vreg.gather [hbm4b:s9+s3], $0x80, v2, vm0, $0xb8;
	[tilespmem:$0x9000] =	vst v63  }
0x25: {  	s1 =	simm.s32 $0x3800  }
0x26: {  	[tilespmem:s1], [sflag:$0x1] =	stream.indirect_vreg.gather [hbm4b:s10+s3], $0x80, v2, vm0, $0xb8;
	[tilespmem:$0x9000] =	vst v63  }
0x27: {  	s1 =	simm.s32 $0x4000  }
0x28: {  	[tilespmem:s1], [sflag:$0x1] =	stream.indirect_vreg.gather [hbm4b:s11+s3], $0x80, v2, vm0, $0xb8;
	[tilespmem:$0x9000] =	vst v63  }
0x29: {  	s1 =	simm.s32 $0x4800  }
0x2a: {  	[tilespmem:s1], [sflag:$0x1] =	stream.indirect_vreg.gather [hbm4b:s12+s3], $0x80, v2, vm0, $0xb8;
	[tilespmem:$0x9000] =	vst v63  }
0x2b: {  	s1 =	simm.s32 $0x5000  }
0x2c: {  	[tilespmem:s1], [sflag:$0x1] =	stream.indirect_vreg.gather [hbm4b:s13+s3], $0x80, v2, vm0, $0xb8;
	[tilespmem:$0x9000] =	vst v63  }
0x2d: {  	s1 =	simm.s32 $0x5800  }
0x2e: {  	[tilespmem:s1], [sflag:$0x1] =	stream.indirect_vreg.gather [hbm4b:s14+s3], $0x80, v2, vm0, $0xb8;
	[tilespmem:$0x9000] =	vst v63  }
0x2f: {  	s1 =	simm.s32 $0x6000  }
0x30: {  	[tilespmem:s1], [sflag:$0x1] =	stream.indirect_vreg.gather [hbm4b:s15+s3], $0x80, v2, vm0, $0xb8;
	[tilespmem:$0x9000] =	vst v63  }
0x31: {  	s1 =	simm.s32 $0x6800  }
0x32: {  	[tilespmem:s1], [sflag:$0x1] =	stream.indirect_vreg.gather [hbm4b:s16+s3], $0x80, v2, vm0, $0xb8;
	[tilespmem:$0x9000] =	vst v63  }
0x33: {  	s1 =	simm.s32 $0x7000  }
0x34: {  	[tilespmem:s1], [sflag:$0x1] =	stream.indirect_vreg.gather [hbm4b:s17+s3], $0x80, v2, vm0, $0xb8;
	[tilespmem:$0x9000] =	vst v63  }
0x35: {  	s1 =	simm.s32 $0x7800  }
0x36: {  	[tilespmem:s1], [sflag:$0x1] =	stream.indirect_vreg.gather [hbm4b:s18+s3], $0x80, v2, vm0, $0xb8;
	[tilespmem:$0x9000] =	vst v63  }
0x37: {  	s1 =	simm.s32 $0x8000  }
0x38: {  	[tilespmem:s1], [sflag:$0x1] =	stream.indirect_vreg.gather [hbm4b:s19+s3], $0x80, v2, vm0, $0xb8;
	[tilespmem:$0x9000] =	vst v63  }
0x39: {  	s1 =	simm.s32 $0x8800  }
0x3a: {  	[tilespmem:s1], [sflag:$0x1] =	stream.indirect_vreg.gather [hbm4b:s20+s3], $0x80, v2, vm0, $0xb8;
	[tilespmem:$0x9000] =	vst v63  }
0x3b: {  	_ =	swait.ge [sflag:s2], $0x8000  }
0x3c: {  	s29 =	sand.u32 $0x7F00, s3;
	s1 =	sand.u32 $0x70, s3;
	[sflag:s2] =	ssyncset.done $0x0  }
0x3d: {  	s29 =	sor.u32 s1, s29;
	[sflag:s2] =	ssyncadd.s32 $0xFFFF8000  }
0x3e: {  	v2 =	vld [tilespmem:s29+$0x1000]  }
0x3f: {  	v3 =	vld [tilespmem:s29+$0x1080];
	_ =	sdelay $0x3  }
0x40: {  	s30 =	simm.s32 $0x20;
	s0 =	simm.s32 $0x10;
	v4 =	vsub.f32 $0.0e+00, v2  }
0x41: {  	s31 =	sand.u32 $0x7F00, s30;
	s1 =	sand.u32 $0x70, s0;
	v2 =	vsub.f32 $0.0e+00, v3  }
0x42: {  	s31 =	sor.u32 s1, s31;
	s1 =	simm.s32 $0x20;
	[tilespmem:s29+$0x1000] =	vst v4  }
.LBB2_2:
0x43: {  	p0 =	sne.s32 s1, $0x3FF0;
	v3 =	vld [tilespmem:s31+$0x1000];
	[tilespmem:s29+$0x1080] =	vst v2;
	s29 =	smov.u32 s31  }
0x44: {  	v2 =	vld [tilespmem:s29+$0x1080];
	_ =	sdelay $0x1  }
.Ltmp0:
0x45: {  	(pc) =	sbr.rel @p0 .LBB2_2-.Ltmp0, $4  }
0x46: {  	_ = 	snop  }
0x47: {  	s30 =	sadd.s32 $0x20, s30;
	v3 =	vsub.f32 $0.0e+00, v3  }
0x48: {  	s31 =	sand.u32 $0x70, s1;
	s0 =	sand.u32 $0x7F00, s30;
	v2 =	vsub.f32 $0.0e+00, v2  }
0x49: {  	s1 =	sadd.s32 $0x10, s1;
	s31 =	sor.u32 s31, s0;
	[tilespmem:s29+$0x1000] =	vst v3  }
0x4a: {  	v3 =	vld [tilespmem:s31+$0x1000];
	[tilespmem:s29+$0x1080] =	vst v2  }
0x4b: {  	v2 =	vld [tilespmem:s31+$0x1080];
	_ =	sdelay $0x3  }
0x4c: {  	v3 =	vsub.f32 $0.0e+00, v3  }
0x4d: {  	s28 =	sadd.s32 $0x1, s28;
	v2 =	vsub.f32 $0.0e+00, v2  }
0x4e: {  	p0 =	sne.s32 s28, s22;
	[tilespmem:s31+$0x1000] =	vst v3  }
.Ltmp1:
0x4f: {  	[tilespmem:s31+$0x1080] =	vst v2;
	(pc) =	sbr.rel @p0 .LBB2_1-.Ltmp1, $4  }
0x50: {  	[hbm4b:s21+s25] =	stream.strided.scatter [tilespmem:s24], [sflag:$0x2], $0x8000, s26, s25, $0x38;
	[tilespmem:$0x9000] =	vst v63  }
0x51: {  	_ =	swait.ge [sflag:s23], $0x8000  }
0x52: {  	[sflag:s23] =	ssyncset.done $0x0  }
0x53: {  	[sflag:s23] =	ssyncadd.s32 $0xFFFF8000  }
0x54: {  	_ =	sfence.sel $0x180000  }
0x55: {  	[bflag:$0x0] =	sbarrier.arrive $0xFFFF  }
0x56: {  	_ =	strace $0x90000047  }
0x57: {  	s0 =	stileid.u32;
	[bflag:$0x2] =	sbarrier.arrive $0xFFFF  }
0x58: {  	p0 =	sne.s32 s0, $0x0;
	s0 =	rddreg [dreg:$0x2]  }
0x59: {  	s0 =	sadd.s32 @!p0 $0x100000, s0  }
0x5a: {  	[sflag:s0] =	ssyncadd.tile.s32 @!p0 $0x1;
	_ =	shalt  }
.Lfunc_end2:
_tile_overlayer_lowered:
.L_overlay_start_2:
0x5b: {  	(tag) =	ssettag $0x2  }
0x5c: {  	s0 =	rddreg [dreg:$0x0];
	s2 =	stileid.u32  }
0x5d: {  	s1 =	rddreg [dreg:$0x1];
	p0 =	sne.s32 s2, $0x0  }
0x5e: {  	s3 =	rddreg [dreg:$0x2];
	[bflag:$0x3] =	sbarrier.arrive $0xFFFF;
	s2 =	simm.s32 @!p0 $0x1C02  }
0x5f: {  	[timem:s3], [sflag:s2] =	dma.local @!p0 [hbm:s0], s1  }
0x60: {  	s0 =	simm.s32 @!p0 $0x2  }
0x61: {  	_ =	swait.ge @!p0 [sflag:s0], s1  }
0x62: {  	s1 =	ssub.s32 @!p0 $0x0, s1;
	[sflag:s0] =	ssyncset.done @!p0 $0x0  }
0x63: {  	[sflag:s0] =	ssyncadd.s32 @!p0 s1  }
0x64: {  	[bflag:$0x3] =	sbarrier.arrive $0xFFFF  }
0x65: {  	_ =	shalt  }

</sc_bundles>
